<compile_context>
chip_gen: v7x
topology: tpu7x:2x2x1
jax: 0.10.2.dev20260603
libtpu: 0.0.44.dev20260713+nightly
codegen_flags: <defaults>
</compile_context>

<pallas_src>
import jax
import jax.numpy as jnp
from jax import lax
from jax.experimental import pallas as pl
from jax.experimental.pallas import tpu as pltpu
from jax.experimental.pallas import tpu_sc as plsc

_N = 10000
_NPAD = 10240
_E = 320000
_D = 128
_H = 32
_CH = 128
_NWORK = 32
_CPT = 80
_EPAD = _NWORK * _CPT * _CH
_ROWS_PER_TILE = _NPAD // 16
_NBUF = 12
_GLOOK = 8
_SLAG = _NBUF - _GLOOK

_mesh = plsc.VectorSubcoreMesh(core_axis_name="c", subcore_axis_name="s")


def _sc_degree_body(dst_ref, out_ref, dstv, hist, isem):
    c = lax.axis_index("c")
    s = lax.axis_index("s")
    wid = s * 2 + c
    z16 = jnp.zeros((16,), jnp.float32)

    icp = pltpu.async_copy(dst_ref.at[pl.ds(wid * _CPT, _CPT)], dstv, isem)

    def zero_body(i, carry):
        hist[pl.ds(i * 16, 16)] = z16
        return carry

    lax.fori_loop(0, _NPAD // 16, zero_body, 0)
    icp.wait()

    ones = jnp.full((16,), 1.0, jnp.float32)

    def chunk_body(i, carry):
        for j in range(_CH // 16):
            idx = dstv[i, pl.ds(j * 16, 16)]
            plsc.addupdate_scatter(hist, [idx], ones)
        return carry

    lax.fori_loop(0, _CPT, chunk_body, 0)
    pltpu.sync_copy(hist, out_ref.at[wid])


_sc_degree = pl.kernel(
    _sc_degree_body,
    out_type=jax.ShapeDtypeStruct((_NWORK, _NPAD), jnp.float32),
    mesh=_mesh,
    scratch_types=[
        pltpu.VMEM((_CPT, _CH), jnp.int32),
        pltpu.VMEM((_NPAD,), jnp.float32),
        pltpu.SemaphoreType.DMA,
    ],
    compiler_params=pltpu.CompilerParams(needs_layout_passes=False),
)


def _sc_conv_body(
    ht_ref, src_ref, dst_ref, out_ref, acc, srcv, dstv, gbuf, zbuf, gsem, ssem, isem
):
    c = lax.axis_index("c")
    s = lax.axis_index("s")
    wid = s * 2 + c
    z16 = jnp.zeros((16,), jnp.float32)

    icp1 = pltpu.async_copy(src_ref.at[pl.ds(wid * _CPT, _CPT)], srcv, isem)
    icp2 = pltpu.async_copy(dst_ref.at[pl.ds(wid * _CPT, _CPT)], dstv, isem)

    def zb(i, carry):
        zbuf[i, pl.ds(0, 16)] = z16
        zbuf[i, pl.ds(16, 16)] = z16
        return carry

    lax.fori_loop(0, _CH, zb, 0)
    for k in range(_ROWS_PER_TILE // _CH):
        pltpu.sync_copy(zbuf, acc.at[pl.ds(s * _ROWS_PER_TILE + k * _CH, _CH)])

    icp1.wait()
    icp2.wait()
    plsc.subcore_barrier()

    for b in range(_GLOOK):
        pltpu.async_copy(ht_ref.at[srcv.at[b]], gbuf.at[b], gsem)

    def chunk(i, carry):
        buf = lax.rem(i, _NBUF)
        pltpu.make_async_copy(ht_ref.at[srcv.at[i]], gbuf.at[buf], gsem).wait()
        pltpu.async_copy(gbuf.at[buf], acc.at[dstv.at[i]], ssem, add=True)

        @pl.when(i >= _SLAG)
        def _():
            j = i - _SLAG
            jb = lax.rem(j, _NBUF)
            pltpu.make_async_copy(gbuf.at[jb], acc.at[dstv.at[j]], ssem).wait()

        @pl.when(i + _GLOOK < _CPT)
        def _():
            k = i + _GLOOK
            pltpu.async_copy(ht_ref.at[srcv.at[k]], gbuf.at[lax.rem(k, _NBUF)], gsem)

        return carry

    lax.fori_loop(0, _CPT, chunk, 0)
    for j in range(_CPT - _SLAG, _CPT):
        pltpu.make_async_copy(
            gbuf.at[j % _NBUF], acc.at[dstv.at[j]], ssem
        ).wait()
    plsc.subcore_barrier()
    pltpu.sync_copy(
        acc.at[pl.ds(s * _ROWS_PER_TILE, _ROWS_PER_TILE)],
        out_ref.at[c, pl.ds(s * _ROWS_PER_TILE, _ROWS_PER_TILE)],
    )


_sc_conv = pl.kernel(
    _sc_conv_body,
    out_type=jax.ShapeDtypeStruct((2, _NPAD, _H), jnp.float32),
    mesh=_mesh,
    scratch_types=[
        pltpu.VMEM_SHARED((_NPAD, _H), jnp.float32),
        pltpu.VMEM((_CPT, _CH), jnp.int32),
        pltpu.VMEM((_CPT, _CH), jnp.int32),
        pltpu.VMEM((_NBUF, _CH, _H), jnp.float32),
        pltpu.VMEM((_CH, _H), jnp.float32),
        pltpu.SemaphoreType.DMA,
        pltpu.SemaphoreType.DMA,
        pltpu.SemaphoreType.DMA,
    ],
    compiler_params=pltpu.CompilerParams(
        needs_layout_passes=False, use_tc_tiling_on_sc=False
    ),
)


def _tc_mm1_body(hists_ref, x_ref, w1_ref, h1_ref, h1t_ref, dis_ref):
    ones = jnp.ones((_NWORK, 1), jnp.float32)
    deg = (
        lax.dot_general(
            hists_ref[...], ones, (((0,), (0,)), ((), ())),
            preferred_element_type=jnp.float32,
        )
        + 1.0
    )
    dis = lax.rsqrt(deg)
    dis_ref[...] = dis
    h1 = jnp.dot(x_ref[...], w1_ref[...], preferred_element_type=jnp.float32)
    h1_ref[...] = h1
    h1t_ref[...] = h1 * dis[0:_N]


_tc_mm1 = pl.pallas_call(
    _tc_mm1_body,
    out_shape=[
        jax.ShapeDtypeStruct((_N, _H), jnp.float32),
        jax.ShapeDtypeStruct((_N, _H), jnp.float32),
        jax.ShapeDtypeStruct((_NPAD, 1), jnp.float32),
    ],
)


def _tc_mid_body(dis_ref, acc_ref, h1_ref, b1_ref, w2_ref, h_ref, h2a_ref, h2t_ref):
    dis = dis_ref[0:_N]
    agg = acc_ref[0, 0:_N, :] + acc_ref[1, 0:_N, :]
    hpre = dis * agg + (dis * dis) * h1_ref[...] + b1_ref[...]
    h = jnp.maximum(hpre, 0.0)
    h_ref[...] = h
    h2a = jnp.dot(h, w2_ref[...], preferred_element_type=jnp.float32)
    h2a_ref[...] = h2a
    h2t_ref[...] = h2a * dis


_tc_mid = pl.pallas_call(
    _tc_mid_body,
    out_shape=[
        jax.ShapeDtypeStruct((_N, _H), jnp.float32),
        jax.ShapeDtypeStruct((_N, _H), jnp.float32),
        jax.ShapeDtypeStruct((_N, _H), jnp.float32),
    ],
)


def _tc_out_body(dis_ref, acc_ref, h_ref, h2a_ref, b2_ref, wout_ref, bout_ref, out_ref):
    dis = dis_ref[0:_N]
    agg = acc_ref[0, 0:_N, :] + acc_ref[1, 0:_N, :]
    h2 = dis * agg + (dis * dis) * h2a_ref[...] + b2_ref[...]
    hf = h_ref[...] + h2
    o = jnp.dot(hf, wout_ref[...], preferred_element_type=jnp.float32) + bout_ref[...]
    out_ref[...] = jnp.tanh(o) * 5.0


_tc_out = pl.pallas_call(
    _tc_out_body,
    out_shape=jax.ShapeDtypeStruct((_N, 1), jnp.float32),
)


def kernel(x, edge_index, W1, b1, W2, b2, W_out, b_out):
    pad = _EPAD - _E
    pad_ar = jnp.arange(pad, dtype=jnp.int32)
    src = jnp.concatenate([edge_index[0], pad_ar % _N])
    dst = jnp.concatenate([edge_index[1], _N + pad_ar % (_NPAD - _N)])
    src = src.reshape(_NWORK * _CPT, _CH)
    dst = dst.reshape(_NWORK * _CPT, _CH)

    hists = _sc_degree(dst)
    h1, h1t, dis2 = _tc_mm1(hists, x, W1)
    acc1 = _sc_conv(h1t, src, dst)
    h, h2a, h2t = _tc_mid(dis2, acc1, h1, b1, W2)
    acc2 = _sc_conv(h2t, src, dst)
    return _tc_out(dis2, acc2, h, h2a, b2, W_out, b_out)

# --- scband reference (transcript-rebuilt; emitter-appended) ---
"""Pipeline reference for scband-financial-gnn-3083786518836 (READ-ONLY COPY).

The authoritative reference and input builder live on the scoring server;
editing this copy changes nothing except your own understanding.
"""

import jax, jax.numpy as jnp
import numpy as np

N = 10000
E = 320000
D = 128
H = 32


def setup_inputs(seed: int = 0) -> dict:
    key = jax.random.key(seed)
    ks = jax.random.split(key, 8)
    x = jax.random.normal(ks[0], (N, D), dtype=jnp.float32)
    edge_index = jax.random.randint(ks[1], (2, E), 0, N, dtype=jnp.int32)
    W1 = jax.random.normal(ks[2], (D, H), dtype=jnp.float32) * (1.0 / np.sqrt(D))
    b1 = jnp.zeros((H,), dtype=jnp.float32)
    W2 = jax.random.normal(ks[3], (H, H), dtype=jnp.float32) * (1.0 / np.sqrt(H))
    b2 = jnp.zeros((H,), dtype=jnp.float32)
    W_out = jax.random.normal(ks[4], (H, 1), dtype=jnp.float32) * (1.0 / np.sqrt(H))
    b_out = jnp.zeros((1,), dtype=jnp.float32)
    return {"x": x, "edge_index": edge_index, "W1": W1, "b1": b1, "W2": W2, "b2": b2, "W_out": W_out, "b_out": b_out}


def _gcn_conv(x, edge_index, W, b):
    n = x.shape[0]
    loop = jnp.arange(n, dtype=edge_index.dtype)
    src = jnp.concatenate([edge_index[0], loop])
    dst = jnp.concatenate([edge_index[1], loop])
    deg = jnp.zeros((n,), dtype=x.dtype).at[dst].add(1.0)
    deg_inv_sqrt = jnp.where(deg > 0, jax.lax.rsqrt(deg), 0.0)
    norm = deg_inv_sqrt[src] * deg_inv_sqrt[dst]
    h = x @ W
    msgs = h[src] * norm[:, None]
    out = jnp.zeros((n, W.shape[1]), dtype=x.dtype).at[dst].add(msgs)
    return out + b


def reference(x, edge_index, W1, b1, W2, b2, W_out, b_out):
    h = _gcn_conv(x, edge_index, W1, b1)
    h = jax.nn.relu(h)
    # dropout(p=0.3) is identity in eval mode
    h2 = _gcn_conv(h, edge_index, W2, b2)
    h = h + h2
    out = h @ W_out + b_out
    out = jnp.tanh(out) * 5.0
    return out

if __name__ == "__main__":
    import jax
    _d = setup_inputs()
    print(jax.jit(kernel)(*tuple(_d.values())))

</pallas_src>

<mosaic_0001>
#map = affine_map<(d0, d1) -> (0, 0)>
#map1 = affine_map<(d0, d1) -> (0, 0, 0)>
module attributes {stable_mosaic.version = 14 : i64} {
  func.func @_sc_conv_body(%arg0: i32, %arg1: i32, %arg2: memref<10000x32xf32, #tpu.memory_space<hbm>>, %arg3: memref<2560x128xi32, #tpu.memory_space<hbm>>, %arg4: memref<2560x128xi32, #tpu.memory_space<hbm>>, %arg5: memref<2x10240x32xf32, #tpu.memory_space<hbm>>, %arg6: memref<10240x32xf32, #tpu.memory_space<vmem_shared>>, %arg7: memref<80x128xi32, #tpu.memory_space<vmem>>, %arg8: memref<80x128xi32, #tpu.memory_space<vmem>>, %arg9: memref<12x128x32xf32, #tpu.memory_space<vmem>>, %arg10: memref<128x32xf32, #tpu.memory_space<vmem>>, %arg11: memref<!tpu.dma_semaphore, #tpu.memory_space<semaphore_mem>>, %arg12: memref<!tpu.dma_semaphore, #tpu.memory_space<semaphore_mem>>, %arg13: memref<!tpu.dma_semaphore, #tpu.memory_space<semaphore_mem>>) attributes {dimension_semantics = [#tpu.dimension_semantics<core_parallel>, #tpu.dimension_semantics<subcore_parallel>], iteration_bounds = array<i64: 2, 16>, scalar_prefetch = 0 : i64, scratch_operands = 8 : i64, tpu.core_type = #tpu.core_type<sc_vector_subcore>, window_params = [{transform_indices = #map}, {transform_indices = #map}, {transform_indices = #map}, {transform_indices = #map1}]} {
    %mul3A = arith.constant 2 : i32
    %mul3A_0 = arith.muli %arg1, %mul3A : i32
    %add3A = arith.addi %mul3A_0, %arg0 : i32
    %broadcast_in_dim3A = arith.constant 0.000000e+00 : f32
    %broadcast_in_dim3A_1 = vector.broadcast %broadcast_in_dim3A : f32 to vector<16xf32>
    %mul3A_2 = arith.constant 80 : i32
    %mul3A_3 = arith.muli %add3A, %mul3A_2 : i32
    %dma_start3A = arith.constant 0 : i32
    %dma_start3A_4 = tpu.memref_slice %arg3[%mul3A_3, %dma_start3A] : memref<2560x128xi32, #tpu.memory_space<hbm>> -> memref<80x128xi32, #tpu.memory_space<hbm>>
    %dma_start3A_5 = arith.constant 0 : i32
    %dma_start3A_6 = tpu.memref_slice %arg3[%mul3A_3, %dma_start3A_5] : memref<2560x128xi32, #tpu.memory_space<hbm>> -> memref<80x128xi32, #tpu.memory_space<hbm>>
    tpu.enqueue_dma source(%dma_start3A_6 : memref<80x128xi32, #tpu.memory_space<hbm>>) target(%arg7 : memref<80x128xi32, #tpu.memory_space<vmem>>) target_semaphore(%arg13 : memref<!tpu.dma_semaphore, #tpu.memory_space<semaphore_mem>>)
    %mul3A_7 = arith.constant 80 : i32
    %mul3A_8 = arith.muli %add3A, %mul3A_7 : i32
    %dma_start3A_9 = arith.constant 0 : i32
    %dma_start3A_10 = tpu.memref_slice %arg4[%mul3A_8, %dma_start3A_9] : memref<2560x128xi32, #tpu.memory_space<hbm>> -> memref<80x128xi32, #tpu.memory_space<hbm>>
    %dma_start3A_11 = arith.constant 0 : i32
    %dma_start3A_12 = tpu.memref_slice %arg4[%mul3A_8, %dma_start3A_11] : memref<2560x128xi32, #tpu.memory_space<hbm>> -> memref<80x128xi32, #tpu.memory_space<hbm>>
    tpu.enqueue_dma source(%dma_start3A_12 : memref<80x128xi32, #tpu.memory_space<hbm>>) target(%arg8 : memref<80x128xi32, #tpu.memory_space<vmem>>) target_semaphore(%arg13 : memref<!tpu.dma_semaphore, #tpu.memory_space<semaphore_mem>>)
    %scan3A = arith.constant 0 : i32
    %scan3A_13 = arith.constant 0 : i32
    %scan3A_14 = arith.constant 128 : i32
    %scan3A_15 = arith.addi %scan3A_13, %scan3A_14 : i32
    %scan3A_16 = arith.constant 1 : i32
    scf.for %scan3A_200 = %scan3A_13 to %scan3A_15 step %scan3A_16  : i32 {
      %swap3A = arith.index_cast %scan3A_200 : i32 to index
      %swap3A_201 = arith.constant 0 : index
      %swap3A_202 = tpu.vector_load %arg10[%swap3A, %swap3A_201] {strides = array<i32>} : memref<128x32xf32, #tpu.memory_space<vmem>>, vector<16xf32>,
      tpu.vector_store %arg10[%swap3A, %swap3A_201], %broadcast_in_dim3A_1 {strides = array<i32>} : memref<128x32xf32, #tpu.memory_space<vmem>>, vector<16xf32>,
      %swap3A_203 = arith.index_cast %scan3A_200 : i32 to index
      %swap3A_204 = arith.constant 16 : index
      %swap3A_205 = tpu.vector_load %arg10[%swap3A_203, %swap3A_204] {strides = array<i32>} : memref<128x32xf32, #tpu.memory_space<vmem>>, vector<16xf32>,
      tpu.vector_store %arg10[%swap3A_203, %swap3A_204], %broadcast_in_dim3A_1 {strides = array<i32>} : memref<128x32xf32, #tpu.memory_space<vmem>>, vector<16xf32>,
    }
    %scan3A_17 = arith.constant 128 : i32
    %mul3A_18 = arith.constant 640 : i32
    %mul3A_19 = arith.muli %arg1, %mul3A_18 : i32
    %add3A_20 = arith.constant 0 : i32
    %add3A_21 = arith.addi %mul3A_19, %add3A_20 : i32
    "tpu.region"() ({
      %run_scoped3A = tpu.sem_alloc : memref<!tpu.dma_semaphore, #tpu.memory_space<semaphore_mem>>
      %dma_start3A_200 = arith.constant 0 : i32
      %dma_start3A_201 = tpu.memref_slice %arg6[%add3A_21, %dma_start3A_200] : memref<10240x32xf32, #tpu.memory_space<vmem_shared>> -> memref<128x32xf32, #tpu.memory_space<vmem_shared>>
      %dma_start3A_202 = arith.constant 0 : i32
      %dma_start3A_203 = tpu.memref_slice %arg6[%add3A_21, %dma_start3A_202] : memref<10240x32xf32, #tpu.memory_space<vmem_shared>> -> memref<128x32xf32, #tpu.memory_space<vmem_shared>>
      tpu.enqueue_dma source(%arg10 : memref<128x32xf32, #tpu.memory_space<vmem>>) target(%dma_start3A_203 : memref<128x32xf32, #tpu.memory_space<vmem_shared>>) target_semaphore(%run_scoped3A : memref<!tpu.dma_semaphore, #tpu.memory_space<semaphore_mem>>)
      %dma_wait3A_204 = arith.constant 0 : i32
      %dma_wait3A_205 = tpu.memref_slice %arg6[%add3A_21, %dma_wait3A_204] : memref<10240x32xf32, #tpu.memory_space<vmem_shared>> -> memref<128x32xf32, #tpu.memory_space<vmem_shared>>
      %dma_wait3A_206 = arith.constant 0 : i32
      %dma_wait3A_207 = tpu.memref_slice %arg6[%add3A_21, %dma_wait3A_206] : memref<10240x32xf32, #tpu.memory_space<vmem_shared>> -> memref<128x32xf32, #tpu.memory_space<vmem_shared>>
      tpu.wait_dma2 semaphore(%run_scoped3A : memref<!tpu.dma_semaphore, #tpu.memory_space<semaphore_mem>>) src(%arg10 : memref<128x32xf32, #tpu.memory_space<vmem>>) dst(%dma_wait3A_207 : memref<128x32xf32, #tpu.memory_space<vmem_shared>>)
      tpu.yield
    }) : () -> ()
    %mul3A_22 = arith.constant 640 : i32
    %mul3A_23 = arith.muli %arg1, %mul3A_22 : i32
    %add3A_24 = arith.constant 128 : i32
    %add3A_25 = arith.addi %mul3A_23, %add3A_24 : i32
    "tpu.region"() ({
      %run_scoped3A = tpu.sem_alloc : memref<!tpu.dma_semaphore, #tpu.memory_space<semaphore_mem>>
      %dma_start3A_200 = arith.constant 0 : i32
      %dma_start3A_201 = tpu.memref_slice %arg6[%add3A_25, %dma_start3A_200] : memref<10240x32xf32, #tpu.memory_space<vmem_shared>> -> memref<128x32xf32, #tpu.memory_space<vmem_shared>>
      %dma_start3A_202 = arith.constant 0 : i32
      %dma_start3A_203 = tpu.memref_slice %arg6[%add3A_25, %dma_start3A_202] : memref<10240x32xf32, #tpu.memory_space<vmem_shared>> -> memref<128x32xf32, #tpu.memory_space<vmem_shared>>
      tpu.enqueue_dma source(%arg10 : memref<128x32xf32, #tpu.memory_space<vmem>>) target(%dma_start3A_203 : memref<128x32xf32, #tpu.memory_space<vmem_shared>>) target_semaphore(%run_scoped3A : memref<!tpu.dma_semaphore, #tpu.memory_space<semaphore_mem>>)
      %dma_wait3A_204 = arith.constant 0 : i32
      %dma_wait3A_205 = tpu.memref_slice %arg6[%add3A_25, %dma_wait3A_204] : memref<10240x32xf32, #tpu.memory_space<vmem_shared>> -> memref<128x32xf32, #tpu.memory_space<vmem_shared>>
      %dma_wait3A_206 = arith.constant 0 : i32
      %dma_wait3A_207 = tpu.memref_slice %arg6[%add3A_25, %dma_wait3A_206] : memref<10240x32xf32, #tpu.memory_space<vmem_shared>> -> memref<128x32xf32, #tpu.memory_space<vmem_shared>>
      tpu.wait_dma2 semaphore(%run_scoped3A : memref<!tpu.dma_semaphore, #tpu.memory_space<semaphore_mem>>) src(%arg10 : memref<128x32xf32, #tpu.memory_space<vmem>>) dst(%dma_wait3A_207 : memref<128x32xf32, #tpu.memory_space<vmem_shared>>)
      tpu.yield
    }) : () -> ()
    %mul3A_26 = arith.constant 640 : i32
    %mul3A_27 = arith.muli %arg1, %mul3A_26 : i32
    %add3A_28 = arith.constant 256 : i32
    %add3A_29 = arith.addi %mul3A_27, %add3A_28 : i32
    "tpu.region"() ({
      %run_scoped3A = tpu.sem_alloc : memref<!tpu.dma_semaphore, #tpu.memory_space<semaphore_mem>>
      %dma_start3A_200 = arith.constant 0 : i32
      %dma_start3A_201 = tpu.memref_slice %arg6[%add3A_29, %dma_start3A_200] : memref<10240x32xf32, #tpu.memory_space<vmem_shared>> -> memref<128x32xf32, #tpu.memory_space<vmem_shared>>
      %dma_start3A_202 = arith.constant 0 : i32
      %dma_start3A_203 = tpu.memref_slice %arg6[%add3A_29, %dma_start3A_202] : memref<10240x32xf32, #tpu.memory_space<vmem_shared>> -> memref<128x32xf32, #tpu.memory_space<vmem_shared>>
      tpu.enqueue_dma source(%arg10 : memref<128x32xf32, #tpu.memory_space<vmem>>) target(%dma_start3A_203 : memref<128x32xf32, #tpu.memory_space<vmem_shared>>) target_semaphore(%run_scoped3A : memref<!tpu.dma_semaphore, #tpu.memory_space<semaphore_mem>>)
      %dma_wait3A_204 = arith.constant 0 : i32
      %dma_wait3A_205 = tpu.memref_slice %arg6[%add3A_29, %dma_wait3A_204] : memref<10240x32xf32, #tpu.memory_space<vmem_shared>> -> memref<128x32xf32, #tpu.memory_space<vmem_shared>>
      %dma_wait3A_206 = arith.constant 0 : i32
      %dma_wait3A_207 = tpu.memref_slice %arg6[%add3A_29, %dma_wait3A_206] : memref<10240x32xf32, #tpu.memory_space<vmem_shared>> -> memref<128x32xf32, #tpu.memory_space<vmem_shared>>
      tpu.wait_dma2 semaphore(%run_scoped3A : memref<!tpu.dma_semaphore, #tpu.memory_space<semaphore_mem>>) src(%arg10 : memref<128x32xf32, #tpu.memory_space<vmem>>) dst(%dma_wait3A_207 : memref<128x32xf32, #tpu.memory_space<vmem_shared>>)
      tpu.yield
    }) : () -> ()
    %mul3A_30 = arith.constant 640 : i32
    %mul3A_31 = arith.muli %arg1, %mul3A_30 : i32
    %add3A_32 = arith.constant 384 : i32
    %add3A_33 = arith.addi %mul3A_31, %add3A_32 : i32
    "tpu.region"() ({
      %run_scoped3A = tpu.sem_alloc : memref<!tpu.dma_semaphore, #tpu.memory_space<semaphore_mem>>
      %dma_start3A_200 = arith.constant 0 : i32
      %dma_start3A_201 = tpu.memref_slice %arg6[%add3A_33, %dma_start3A_200] : memref<10240x32xf32, #tpu.memory_space<vmem_shared>> -> memref<128x32xf32, #tpu.memory_space<vmem_shared>>
      %dma_start3A_202 = arith.constant 0 : i32
      %dma_start3A_203 = tpu.memref_slice %arg6[%add3A_33, %dma_start3A_202] : memref<10240x32xf32, #tpu.memory_space<vmem_shared>> -> memref<128x32xf32, #tpu.memory_space<vmem_shared>>
      tpu.enqueue_dma source(%arg10 : memref<128x32xf32, #tpu.memory_space<vmem>>) target(%dma_start3A_203 : memref<128x32xf32, #tpu.memory_space<vmem_shared>>) target_semaphore(%run_scoped3A : memref<!tpu.dma_semaphore, #tpu.memory_space<semaphore_mem>>)
      %dma_wait3A_204 = arith.constant 0 : i32
      %dma_wait3A_205 = tpu.memref_slice %arg6[%add3A_33, %dma_wait3A_204] : memref<10240x32xf32, #tpu.memory_space<vmem_shared>> -> memref<128x32xf32, #tpu.memory_space<vmem_shared>>
      %dma_wait3A_206 = arith.constant 0 : i32
      %dma_wait3A_207 = tpu.memref_slice %arg6[%add3A_33, %dma_wait3A_206] : memref<10240x32xf32, #tpu.memory_space<vmem_shared>> -> memref<128x32xf32, #tpu.memory_space<vmem_shared>>
      tpu.wait_dma2 semaphore(%run_scoped3A : memref<!tpu.dma_semaphore, #tpu.memory_space<semaphore_mem>>) src(%arg10 : memref<128x32xf32, #tpu.memory_space<vmem>>) dst(%dma_wait3A_207 : memref<128x32xf32, #tpu.memory_space<vmem_shared>>)
      tpu.yield
    }) : () -> ()
    %mul3A_34 = arith.constant 640 : i32
    %mul3A_35 = arith.muli %arg1, %mul3A_34 : i32
    %add3A_36 = arith.constant 512 : i32
    %add3A_37 = arith.addi %mul3A_35, %add3A_36 : i32
    "tpu.region"() ({
      %run_scoped3A = tpu.sem_alloc : memref<!tpu.dma_semaphore, #tpu.memory_space<semaphore_mem>>
      %dma_start3A_200 = arith.constant 0 : i32
      %dma_start3A_201 = tpu.memref_slice %arg6[%add3A_37, %dma_start3A_200] : memref<10240x32xf32, #tpu.memory_space<vmem_shared>> -> memref<128x32xf32, #tpu.memory_space<vmem_shared>>
      %dma_start3A_202 = arith.constant 0 : i32
      %dma_start3A_203 = tpu.memref_slice %arg6[%add3A_37, %dma_start3A_202] : memref<10240x32xf32, #tpu.memory_space<vmem_shared>> -> memref<128x32xf32, #tpu.memory_space<vmem_shared>>
      tpu.enqueue_dma source(%arg10 : memref<128x32xf32, #tpu.memory_space<vmem>>) target(%dma_start3A_203 : memref<128x32xf32, #tpu.memory_space<vmem_shared>>) target_semaphore(%run_scoped3A : memref<!tpu.dma_semaphore, #tpu.memory_space<semaphore_mem>>)
      %dma_wait3A_204 = arith.constant 0 : i32
      %dma_wait3A_205 = tpu.memref_slice %arg6[%add3A_37, %dma_wait3A_204] : memref<10240x32xf32, #tpu.memory_space<vmem_shared>> -> memref<128x32xf32, #tpu.memory_space<vmem_shared>>
      %dma_wait3A_206 = arith.constant 0 : i32
      %dma_wait3A_207 = tpu.memref_slice %arg6[%add3A_37, %dma_wait3A_206] : memref<10240x32xf32, #tpu.memory_space<vmem_shared>> -> memref<128x32xf32, #tpu.memory_space<vmem_shared>>
      tpu.wait_dma2 semaphore(%run_scoped3A : memref<!tpu.dma_semaphore, #tpu.memory_space<semaphore_mem>>) src(%arg10 : memref<128x32xf32, #tpu.memory_space<vmem>>) dst(%dma_wait3A_207 : memref<128x32xf32, #tpu.memory_space<vmem_shared>>)
      tpu.yield
    }) : () -> ()
    %dma_wait3A = arith.constant 0 : i32
    %dma_wait3A_38 = tpu.memref_slice %arg3[%mul3A_3, %dma_wait3A] : memref<2560x128xi32, #tpu.memory_space<hbm>> -> memref<80x128xi32, #tpu.memory_space<hbm>>
    %dma_wait3A_39 = arith.constant 0 : i32
    %dma_wait3A_40 = tpu.memref_slice %arg3[%mul3A_3, %dma_wait3A_39] : memref<2560x128xi32, #tpu.memory_space<hbm>> -> memref<80x128xi32, #tpu.memory_space<hbm>>
    tpu.wait_dma2 semaphore(%arg13 : memref<!tpu.dma_semaphore, #tpu.memory_space<semaphore_mem>>) src(%dma_wait3A_40 : memref<80x128xi32, #tpu.memory_space<hbm>>) dst(%arg7 : memref<80x128xi32, #tpu.memory_space<vmem>>)
    %dma_wait3A_41 = arith.constant 0 : i32
    %dma_wait3A_42 = tpu.memref_slice %arg4[%mul3A_8, %dma_wait3A_41] : memref<2560x128xi32, #tpu.memory_space<hbm>> -> memref<80x128xi32, #tpu.memory_space<hbm>>
    %dma_wait3A_43 = arith.constant 0 : i32
    %dma_wait3A_44 = tpu.memref_slice %arg4[%mul3A_8, %dma_wait3A_43] : memref<2560x128xi32, #tpu.memory_space<hbm>> -> memref<80x128xi32, #tpu.memory_space<hbm>>
    tpu.wait_dma2 semaphore(%arg13 : memref<!tpu.dma_semaphore, #tpu.memory_space<semaphore_mem>>) src(%dma_wait3A_44 : memref<80x128xi32, #tpu.memory_space<hbm>>) dst(%arg8 : memref<80x128xi32, #tpu.memory_space<vmem>>)
    %barrier3A = arith.constant 0 : index
    tpu.barrier barrier_id(%barrier3A)
    %dma_start3A_45 = arith.constant 0 : i32
    %dma_start3A_46 = arith.constant 0 : i32
    %dma_start3A_47 = arith.constant 0 : i32
    %dma_start3A_48 = arith.constant 0 : i32
    %dma_start3A_49 = tpu.memref_slice %arg9[%dma_start3A_46, %dma_start3A_47, %dma_start3A_48] : memref<12x128x32xf32, #tpu.memory_space<vmem>> -> memref<1x128x32xf32, #tpu.memory_space<vmem>>
    %dma_start3A_50 = tpu.memref_squeeze %dma_start3A_49 : memref<1x128x32xf32, #tpu.memory_space<vmem>> -> memref<128x32xf32, #tpu.memory_space<vmem>>
    %dma_start3A_51 = arith.constant 0 : i32
    %dma_start3A_52 = tpu.memref_slice %arg7[%dma_start3A_45, %dma_start3A_51] : memref<80x128xi32, #tpu.memory_space<vmem>> -> memref<1x128xi32, #tpu.memory_space<vmem>>
    %dma_start3A_53 = tpu.memref_squeeze %dma_start3A_52 : memref<1x128xi32, #tpu.memory_space<vmem>> -> memref<128xi32, #tpu.memory_space<vmem>>
    %dma_start3A_54 = arith.constant 0 : i32
    %dma_start3A_55 = arith.constant 0 : i32
    %dma_start3A_56 = tpu.memref_slice %arg2[%dma_start3A_54, %dma_start3A_55] : memref<10000x32xf32, #tpu.memory_space<hbm>> -> memref<10000x32xf32, #tpu.memory_space<hbm>>
    tpu.enqueue_indirect_dma source(%dma_start3A_56 : memref<10000x32xf32, #tpu.memory_space<hbm>>) target(%dma_start3A_50 : memref<128x32xf32, #tpu.memory_space<vmem>>) offsets(%dma_start3A_53 : memref<128xi32, #tpu.memory_space<vmem>>) semaphore(%arg11 : memref<!tpu.dma_semaphore, #tpu.memory_space<semaphore_mem>>)
    %dma_start3A_57 = arith.constant 1 : i32
    %dma_start3A_58 = arith.constant 1 : i32
    %dma_start3A_59 = arith.constant 0 : i32
    %dma_start3A_60 = arith.constant 0 : i32
    %dma_start3A_61 = tpu.memref_slice %arg9[%dma_start3A_58, %dma_start3A_59, %dma_start3A_60] : memref<12x128x32xf32, #tpu.memory_space<vmem>> -> memref<1x128x32xf32, #tpu.memory_space<vmem>>
    %dma_start3A_62 = tpu.memref_squeeze %dma_start3A_61 : memref<1x128x32xf32, #tpu.memory_space<vmem>> -> memref<128x32xf32, #tpu.memory_space<vmem>>
    %dma_start3A_63 = arith.constant 0 : i32
    %dma_start3A_64 = tpu.memref_slice %arg7[%dma_start3A_57, %dma_start3A_63] : memref<80x128xi32, #tpu.memory_space<vmem>> -> memref<1x128xi32, #tpu.memory_space<vmem>>
    %dma_start3A_65 = tpu.memref_squeeze %dma_start3A_64 : memref<1x128xi32, #tpu.memory_space<vmem>> -> memref<128xi32, #tpu.memory_space<vmem>>
    %dma_start3A_66 = arith.constant 0 : i32
    %dma_start3A_67 = arith.constant 0 : i32
    %dma_start3A_68 = tpu.memref_slice %arg2[%dma_start3A_66, %dma_start3A_67] : memref<10000x32xf32, #tpu.memory_space<hbm>> -> memref<10000x32xf32, #tpu.memory_space<hbm>>
    tpu.enqueue_indirect_dma source(%dma_start3A_68 : memref<10000x32xf32, #tpu.memory_space<hbm>>) target(%dma_start3A_62 : memref<128x32xf32, #tpu.memory_space<vmem>>) offsets(%dma_start3A_65 : memref<128xi32, #tpu.memory_space<vmem>>) semaphore(%arg11 : memref<!tpu.dma_semaphore, #tpu.memory_space<semaphore_mem>>)
    %dma_start3A_69 = arith.constant 2 : i32
    %dma_start3A_70 = arith.constant 2 : i32
    %dma_start3A_71 = arith.constant 0 : i32
    %dma_start3A_72 = arith.constant 0 : i32
    %dma_start3A_73 = tpu.memref_slice %arg9[%dma_start3A_70, %dma_start3A_71, %dma_start3A_72] : memref<12x128x32xf32, #tpu.memory_space<vmem>> -> memref<1x128x32xf32, #tpu.memory_space<vmem>>
    %dma_start3A_74 = tpu.memref_squeeze %dma_start3A_73 : memref<1x128x32xf32, #tpu.memory_space<vmem>> -> memref<128x32xf32, #tpu.memory_space<vmem>>
    %dma_start3A_75 = arith.constant 0 : i32
    %dma_start3A_76 = tpu.memref_slice %arg7[%dma_start3A_69, %dma_start3A_75] : memref<80x128xi32, #tpu.memory_space<vmem>> -> memref<1x128xi32, #tpu.memory_space<vmem>>
    %dma_start3A_77 = tpu.memref_squeeze %dma_start3A_76 : memref<1x128xi32, #tpu.memory_space<vmem>> -> memref<128xi32, #tpu.memory_space<vmem>>
    %dma_start3A_78 = arith.constant 0 : i32
    %dma_start3A_79 = arith.constant 0 : i32
    %dma_start3A_80 = tpu.memref_slice %arg2[%dma_start3A_78, %dma_start3A_79] : memref<10000x32xf32, #tpu.memory_space<hbm>> -> memref<10000x32xf32, #tpu.memory_space<hbm>>
    tpu.enqueue_indirect_dma source(%dma_start3A_80 : memref<10000x32xf32, #tpu.memory_space<hbm>>) target(%dma_start3A_74 : memref<128x32xf32, #tpu.memory_space<vmem>>) offsets(%dma_start3A_77 : memref<128xi32, #tpu.memory_space<vmem>>) semaphore(%arg11 : memref<!tpu.dma_semaphore, #tpu.memory_space<semaphore_mem>>)
    %dma_start3A_81 = arith.constant 3 : i32
    %dma_start3A_82 = arith.constant 3 : i32
    %dma_start3A_83 = arith.constant 0 : i32
    %dma_start3A_84 = arith.constant 0 : i32
    %dma_start3A_85 = tpu.memref_slice %arg9[%dma_start3A_82, %dma_start3A_83, %dma_start3A_84] : memref<12x128x32xf32, #tpu.memory_space<vmem>> -> memref<1x128x32xf32, #tpu.memory_space<vmem>>
    %dma_start3A_86 = tpu.memref_squeeze %dma_start3A_85 : memref<1x128x32xf32, #tpu.memory_space<vmem>> -> memref<128x32xf32, #tpu.memory_space<vmem>>
    %dma_start3A_87 = arith.constant 0 : i32
    %dma_start3A_88 = tpu.memref_slice %arg7[%dma_start3A_81, %dma_start3A_87] : memref<80x128xi32, #tpu.memory_space<vmem>> -> memref<1x128xi32, #tpu.memory_space<vmem>>
    %dma_start3A_89 = tpu.memref_squeeze %dma_start3A_88 : memref<1x128xi32, #tpu.memory_space<vmem>> -> memref<128xi32, #tpu.memory_space<vmem>>
    %dma_start3A_90 = arith.constant 0 : i32
    %dma_start3A_91 = arith.constant 0 : i32
    %dma_start3A_92 = tpu.memref_slice %arg2[%dma_start3A_90, %dma_start3A_91] : memref<10000x32xf32, #tpu.memory_space<hbm>> -> memref<10000x32xf32, #tpu.memory_space<hbm>>
    tpu.enqueue_indirect_dma source(%dma_start3A_92 : memref<10000x32xf32, #tpu.memory_space<hbm>>) target(%dma_start3A_86 : memref<128x32xf32, #tpu.memory_space<vmem>>) offsets(%dma_start3A_89 : memref<128xi32, #tpu.memory_space<vmem>>) semaphore(%arg11 : memref<!tpu.dma_semaphore, #tpu.memory_space<semaphore_mem>>)
    %dma_start3A_93 = arith.constant 4 : i32
    %dma_start3A_94 = arith.constant 4 : i32
    %dma_start3A_95 = arith.constant 0 : i32
    %dma_start3A_96 = arith.constant 0 : i32
    %dma_start3A_97 = tpu.memref_slice %arg9[%dma_start3A_94, %dma_start3A_95, %dma_start3A_96] : memref<12x128x32xf32, #tpu.memory_space<vmem>> -> memref<1x128x32xf32, #tpu.memory_space<vmem>>
    %dma_start3A_98 = tpu.memref_squeeze %dma_start3A_97 : memref<1x128x32xf32, #tpu.memory_space<vmem>> -> memref<128x32xf32, #tpu.memory_space<vmem>>
    %dma_start3A_99 = arith.constant 0 : i32
    %dma_start3A_100 = tpu.memref_slice %arg7[%dma_start3A_93, %dma_start3A_99] : memref<80x128xi32, #tpu.memory_space<vmem>> -> memref<1x128xi32, #tpu.memory_space<vmem>>
    %dma_start3A_101 = tpu.memref_squeeze %dma_start3A_100 : memref<1x128xi32, #tpu.memory_space<vmem>> -> memref<128xi32, #tpu.memory_space<vmem>>
    %dma_start3A_102 = arith.constant 0 : i32
    %dma_start3A_103 = arith.constant 0 : i32
    %dma_start3A_104 = tpu.memref_slice %arg2[%dma_start3A_102, %dma_start3A_103] : memref<10000x32xf32, #tpu.memory_space<hbm>> -> memref<10000x32xf32, #tpu.memory_space<hbm>>
    tpu.enqueue_indirect_dma source(%dma_start3A_104 : memref<10000x32xf32, #tpu.memory_space<hbm>>) target(%dma_start3A_98 : memref<128x32xf32, #tpu.memory_space<vmem>>) offsets(%dma_start3A_101 : memref<128xi32, #tpu.memory_space<vmem>>) semaphore(%arg11 : memref<!tpu.dma_semaphore, #tpu.memory_space<semaphore_mem>>)
    %dma_start3A_105 = arith.constant 5 : i32
    %dma_start3A_106 = arith.constant 5 : i32
    %dma_start3A_107 = arith.constant 0 : i32
    %dma_start3A_108 = arith.constant 0 : i32
    %dma_start3A_109 = tpu.memref_slice %arg9[%dma_start3A_106, %dma_start3A_107, %dma_start3A_108] : memref<12x128x32xf32, #tpu.memory_space<vmem>> -> memref<1x128x32xf32, #tpu.memory_space<vmem>>
    %dma_start3A_110 = tpu.memref_squeeze %dma_start3A_109 : memref<1x128x32xf32, #tpu.memory_space<vmem>> -> memref<128x32xf32, #tpu.memory_space<vmem>>
    %dma_start3A_111 = arith.constant 0 : i32
    %dma_start3A_112 = tpu.memref_slice %arg7[%dma_start3A_105, %dma_start3A_111] : memref<80x128xi32, #tpu.memory_space<vmem>> -> memref<1x128xi32, #tpu.memory_space<vmem>>
    %dma_start3A_113 = tpu.memref_squeeze %dma_start3A_112 : memref<1x128xi32, #tpu.memory_space<vmem>> -> memref<128xi32, #tpu.memory_space<vmem>>
    %dma_start3A_114 = arith.constant 0 : i32
    %dma_start3A_115 = arith.constant 0 : i32
    %dma_start3A_116 = tpu.memref_slice %arg2[%dma_start3A_114, %dma_start3A_115] : memref<10000x32xf32, #tpu.memory_space<hbm>> -> memref<10000x32xf32, #tpu.memory_space<hbm>>
    tpu.enqueue_indirect_dma source(%dma_start3A_116 : memref<10000x32xf32, #tpu.memory_space<hbm>>) target(%dma_start3A_110 : memref<128x32xf32, #tpu.memory_space<vmem>>) offsets(%dma_start3A_113 : memref<128xi32, #tpu.memory_space<vmem>>) semaphore(%arg11 : memref<!tpu.dma_semaphore, #tpu.memory_space<semaphore_mem>>)
    %dma_start3A_117 = arith.constant 6 : i32
    %dma_start3A_118 = arith.constant 6 : i32
    %dma_start3A_119 = arith.constant 0 : i32
    %dma_start3A_120 = arith.constant 0 : i32
    %dma_start3A_121 = tpu.memref_slice %arg9[%dma_start3A_118, %dma_start3A_119, %dma_start3A_120] : memref<12x128x32xf32, #tpu.memory_space<vmem>> -> memref<1x128x32xf32, #tpu.memory_space<vmem>>
    %dma_start3A_122 = tpu.memref_squeeze %dma_start3A_121 : memref<1x128x32xf32, #tpu.memory_space<vmem>> -> memref<128x32xf32, #tpu.memory_space<vmem>>
    %dma_start3A_123 = arith.constant 0 : i32
    %dma_start3A_124 = tpu.memref_slice %arg7[%dma_start3A_117, %dma_start3A_123] : memref<80x128xi32, #tpu.memory_space<vmem>> -> memref<1x128xi32, #tpu.memory_space<vmem>>
    %dma_start3A_125 = tpu.memref_squeeze %dma_start3A_124 : memref<1x128xi32, #tpu.memory_space<vmem>> -> memref<128xi32, #tpu.memory_space<vmem>>
    %dma_start3A_126 = arith.constant 0 : i32
    %dma_start3A_127 = arith.constant 0 : i32
    %dma_start3A_128 = tpu.memref_slice %arg2[%dma_start3A_126, %dma_start3A_127] : memref<10000x32xf32, #tpu.memory_space<hbm>> -> memref<10000x32xf32, #tpu.memory_space<hbm>>
    tpu.enqueue_indirect_dma source(%dma_start3A_128 : memref<10000x32xf32, #tpu.memory_space<hbm>>) target(%dma_start3A_122 : memref<128x32xf32, #tpu.memory_space<vmem>>) offsets(%dma_start3A_125 : memref<128xi32, #tpu.memory_space<vmem>>) semaphore(%arg11 : memref<!tpu.dma_semaphore, #tpu.memory_space<semaphore_mem>>)
    %dma_start3A_129 = arith.constant 7 : i32
    %dma_start3A_130 = arith.constant 7 : i32
    %dma_start3A_131 = arith.constant 0 : i32
    %dma_start3A_132 = arith.constant 0 : i32
    %dma_start3A_133 = tpu.memref_slice %arg9[%dma_start3A_130, %dma_start3A_131, %dma_start3A_132] : memref<12x128x32xf32, #tpu.memory_space<vmem>> -> memref<1x128x32xf32, #tpu.memory_space<vmem>>
    %dma_start3A_134 = tpu.memref_squeeze %dma_start3A_133 : memref<1x128x32xf32, #tpu.memory_space<vmem>> -> memref<128x32xf32, #tpu.memory_space<vmem>>
    %dma_start3A_135 = arith.constant 0 : i32
    %dma_start3A_136 = tpu.memref_slice %arg7[%dma_start3A_129, %dma_start3A_135] : memref<80x128xi32, #tpu.memory_space<vmem>> -> memref<1x128xi32, #tpu.memory_space<vmem>>
    %dma_start3A_137 = tpu.memref_squeeze %dma_start3A_136 : memref<1x128xi32, #tpu.memory_space<vmem>> -> memref<128xi32, #tpu.memory_space<vmem>>
    %dma_start3A_138 = arith.constant 0 : i32
    %dma_start3A_139 = arith.constant 0 : i32
    %dma_start3A_140 = tpu.memref_slice %arg2[%dma_start3A_138, %dma_start3A_139] : memref<10000x32xf32, #tpu.memory_space<hbm>> -> memref<10000x32xf32, #tpu.memory_space<hbm>>
    tpu.enqueue_indirect_dma source(%dma_start3A_140 : memref<10000x32xf32, #tpu.memory_space<hbm>>) target(%dma_start3A_134 : memref<128x32xf32, #tpu.memory_space<vmem>>) offsets(%dma_start3A_137 : memref<128xi32, #tpu.memory_space<vmem>>) semaphore(%arg11 : memref<!tpu.dma_semaphore, #tpu.memory_space<semaphore_mem>>)
    %scan3A_141 = arith.constant 0 : i32
    %scan3A_142 = arith.constant 0 : i32
    %scan3A_143 = arith.constant 80 : i32
    %scan3A_144 = arith.addi %scan3A_142, %scan3A_143 : i32
    %scan3A_145 = arith.constant 1 : i32
    scf.for %scan3A_200 = %scan3A_142 to %scan3A_144 step %scan3A_145  : i32 {
      %rem3A = arith.constant 12 : i32
      %rem3A_201 = arith.remsi %scan3A_200, %rem3A : i32
      %dma_wait3A_202 = arith.constant 0 : i32
      %dma_wait3A_203 = arith.constant 0 : i32
      %dma_wait3A_204 = tpu.memref_slice %arg9[%rem3A_201, %dma_wait3A_202, %dma_wait3A_203] : memref<12x128x32xf32, #tpu.memory_space<vmem>> -> memref<1x128x32xf32, #tpu.memory_space<vmem>>
      %dma_wait3A_205 = tpu.memref_squeeze %dma_wait3A_204 : memref<1x128x32xf32, #tpu.memory_space<vmem>> -> memref<128x32xf32, #tpu.memory_space<vmem>>
      %dma_wait3A_206 = arith.constant 0 : i32
      %dma_wait3A_207 = tpu.memref_slice %arg7[%scan3A_200, %dma_wait3A_206] : memref<80x128xi32, #tpu.memory_space<vmem>> -> memref<1x128xi32, #tpu.memory_space<vmem>>
      %dma_wait3A_208 = tpu.memref_squeeze %dma_wait3A_207 : memref<1x128xi32, #tpu.memory_space<vmem>> -> memref<128xi32, #tpu.memory_space<vmem>>
      %dma_wait3A_209 = arith.constant 0 : i32
      %dma_wait3A_210 = arith.constant 0 : i32
      %dma_wait3A_211 = tpu.memref_slice %arg2[%dma_wait3A_209, %dma_wait3A_210] : memref<10000x32xf32, #tpu.memory_space<hbm>> -> memref<10000x32xf32, #tpu.memory_space<hbm>>
      tpu.wait_indirect_dma semaphore(%arg11 : memref<!tpu.dma_semaphore, #tpu.memory_space<semaphore_mem>>) src(%dma_wait3A_211 : memref<10000x32xf32, #tpu.memory_space<hbm>>) dst(%dma_wait3A_205 : memref<128x32xf32, #tpu.memory_space<vmem>>)
      %dma_start3A_212 = arith.constant 0 : i32
      %dma_start3A_213 = arith.constant 0 : i32
      %dma_start3A_214 = tpu.memref_slice %arg9[%rem3A_201, %dma_start3A_212, %dma_start3A_213] : memref<12x128x32xf32, #tpu.memory_space<vmem>> -> memref<1x128x32xf32, #tpu.memory_space<vmem>>
      %dma_start3A_215 = tpu.memref_squeeze %dma_start3A_214 : memref<1x128x32xf32, #tpu.memory_space<vmem>> -> memref<128x32xf32, #tpu.memory_space<vmem>>
      %dma_start3A_216 = arith.constant 0 : i32
      %dma_start3A_217 = tpu.memref_slice %arg8[%scan3A_200, %dma_start3A_216] : memref<80x128xi32, #tpu.memory_space<vmem>> -> memref<1x128xi32, #tpu.memory_space<vmem>>
      %dma_start3A_218 = tpu.memref_squeeze %dma_start3A_217 : memref<1x128xi32, #tpu.memory_space<vmem>> -> memref<128xi32, #tpu.memory_space<vmem>>
      %dma_start3A_219 = arith.constant 0 : i32
      %dma_start3A_220 = arith.constant 0 : i32
      %dma_start3A_221 = tpu.memref_slice %arg6[%dma_start3A_219, %dma_start3A_220] : memref<10240x32xf32, #tpu.memory_space<vmem_shared>> -> memref<10240x32xf32, #tpu.memory_space<vmem_shared>>
      tpu.enqueue_indirect_dma source(%dma_start3A_215 : memref<128x32xf32, #tpu.memory_space<vmem>>) target(%dma_start3A_221 : memref<10240x32xf32, #tpu.memory_space<vmem_shared>>) offsets(%dma_start3A_218 : memref<128xi32, #tpu.memory_space<vmem>>) semaphore(%arg12 : memref<!tpu.dma_semaphore, #tpu.memory_space<semaphore_mem>>) {add = true}
      %ge3A = arith.constant 4 : i32
      %ge3A_222 = arith.cmpi sge, %scan3A_200, %ge3A : i32
      %convert_element_type3A = arith.extui %ge3A_222 : i1 to i32
      %cond3A = arith.constant 0 : i32
      %cond3A_223 = arith.cmpi ne, %convert_element_type3A, %cond3A : i32
      scf.if %cond3A_223 {
        %sub3A = arith.constant 4 : i32
        %sub3A_230 = arith.subi %scan3A_200, %sub3A : i32
        %rem3A_231 = arith.constant 12 : i32
        %rem3A_232 = arith.remsi %sub3A_230, %rem3A_231 : i32
        %dma_wait3A_233 = arith.constant 0 : i32
        %dma_wait3A_234 = arith.constant 0 : i32
        %dma_wait3A_235 = tpu.memref_slice %arg9[%rem3A_232, %dma_wait3A_233, %dma_wait3A_234] : memref<12x128x32xf32, #tpu.memory_space<vmem>> -> memref<1x128x32xf32, #tpu.memory_space<vmem>>
        %dma_wait3A_236 = tpu.memref_squeeze %dma_wait3A_235 : memref<1x128x32xf32, #tpu.memory_space<vmem>> -> memref<128x32xf32, #tpu.memory_space<vmem>>
        %dma_wait3A_237 = arith.constant 0 : i32
        %dma_wait3A_238 = tpu.memref_slice %arg8[%sub3A_230, %dma_wait3A_237] : memref<80x128xi32, #tpu.memory_space<vmem>> -> memref<1x128xi32, #tpu.memory_space<vmem>>
        %dma_wait3A_239 = tpu.memref_squeeze %dma_wait3A_238 : memref<1x128xi32, #tpu.memory_space<vmem>> -> memref<128xi32, #tpu.memory_space<vmem>>
        %dma_wait3A_240 = arith.constant 0 : i32
        %dma_wait3A_241 = arith.constant 0 : i32
        %dma_wait3A_242 = tpu.memref_slice %arg6[%dma_wait3A_240, %dma_wait3A_241] : memref<10240x32xf32, #tpu.memory_space<vmem_shared>> -> memref<10240x32xf32, #tpu.memory_space<vmem_shared>>
        tpu.wait_indirect_dma semaphore(%arg12 : memref<!tpu.dma_semaphore, #tpu.memory_space<semaphore_mem>>) src(%dma_wait3A_236 : memref<128x32xf32, #tpu.memory_space<vmem>>) dst(%dma_wait3A_242 : memref<10240x32xf32, #tpu.memory_space<vmem_shared>>)
      } else {
      }
      %add3A_224 = arith.constant 8 : i32
      %add3A_225 = arith.addi %scan3A_200, %add3A_224 : i32
      %lt3A = arith.constant 80 : i32
      %lt3A_226 = arith.cmpi slt, %add3A_225, %lt3A : i32
      %convert_element_type3A_227 = arith.extui %lt3A_226 : i1 to i32
      %cond3A_228 = arith.constant 0 : i32
      %cond3A_229 = arith.cmpi ne, %convert_element_type3A_227, %cond3A_228 : i32
      scf.if %cond3A_229 {
        %add3A_230 = arith.constant 8 : i32
        %add3A_231 = arith.addi %scan3A_200, %add3A_230 : i32
        %rem3A_232 = arith.constant 12 : i32
        %rem3A_233 = arith.remsi %add3A_231, %rem3A_232 : i32
        %dma_start3A_234 = arith.constant 0 : i32
        %dma_start3A_235 = arith.constant 0 : i32
        %dma_start3A_236 = tpu.memref_slice %arg9[%rem3A_233, %dma_start3A_234, %dma_start3A_235] : memref<12x128x32xf32, #tpu.memory_space<vmem>> -> memref<1x128x32xf32, #tpu.memory_space<vmem>>
        %dma_start3A_237 = tpu.memref_squeeze %dma_start3A_236 : memref<1x128x32xf32, #tpu.memory_space<vmem>> -> memref<128x32xf32, #tpu.memory_space<vmem>>
        %dma_start3A_238 = arith.constant 0 : i32
        %dma_start3A_239 = tpu.memref_slice %arg7[%add3A_231, %dma_start3A_238] : memref<80x128xi32, #tpu.memory_space<vmem>> -> memref<1x128xi32, #tpu.memory_space<vmem>>
        %dma_start3A_240 = tpu.memref_squeeze %dma_start3A_239 : memref<1x128xi32, #tpu.memory_space<vmem>> -> memref<128xi32, #tpu.memory_space<vmem>>
        %dma_start3A_241 = arith.constant 0 : i32
        %dma_start3A_242 = arith.constant 0 : i32
        %dma_start3A_243 = tpu.memref_slice %arg2[%dma_start3A_241, %dma_start3A_242] : memref<10000x32xf32, #tpu.memory_space<hbm>> -> memref<10000x32xf32, #tpu.memory_space<hbm>>
        tpu.enqueue_indirect_dma source(%dma_start3A_243 : memref<10000x32xf32, #tpu.memory_space<hbm>>) target(%dma_start3A_237 : memref<128x32xf32, #tpu.memory_space<vmem>>) offsets(%dma_start3A_240 : memref<128xi32, #tpu.memory_space<vmem>>) semaphore(%arg11 : memref<!tpu.dma_semaphore, #tpu.memory_space<semaphore_mem>>)
      } else {
      }
    }
    %scan3A_146 = arith.constant 80 : i32
    %dma_wait3A_147 = arith.constant 4 : i32
    %dma_wait3A_148 = arith.constant 76 : i32
    %dma_wait3A_149 = arith.constant 0 : i32
    %dma_wait3A_150 = arith.constant 0 : i32
    %dma_wait3A_151 = tpu.memref_slice %arg9[%dma_wait3A_147, %dma_wait3A_149, %dma_wait3A_150] : memref<12x128x32xf32, #tpu.memory_space<vmem>> -> memref<1x128x32xf32, #tpu.memory_space<vmem>>
    %dma_wait3A_152 = tpu.memref_squeeze %dma_wait3A_151 : memref<1x128x32xf32, #tpu.memory_space<vmem>> -> memref<128x32xf32, #tpu.memory_space<vmem>>
    %dma_wait3A_153 = arith.constant 0 : i32
    %dma_wait3A_154 = tpu.memref_slice %arg8[%dma_wait3A_148, %dma_wait3A_153] : memref<80x128xi32, #tpu.memory_space<vmem>> -> memref<1x128xi32, #tpu.memory_space<vmem>>
    %dma_wait3A_155 = tpu.memref_squeeze %dma_wait3A_154 : memref<1x128xi32, #tpu.memory_space<vmem>> -> memref<128xi32, #tpu.memory_space<vmem>>
    %dma_wait3A_156 = arith.constant 0 : i32
    %dma_wait3A_157 = arith.constant 0 : i32
    %dma_wait3A_158 = tpu.memref_slice %arg6[%dma_wait3A_156, %dma_wait3A_157] : memref<10240x32xf32, #tpu.memory_space<vmem_shared>> -> memref<10240x32xf32, #tpu.memory_space<vmem_shared>>
    tpu.wait_indirect_dma semaphore(%arg12 : memref<!tpu.dma_semaphore, #tpu.memory_space<semaphore_mem>>) src(%dma_wait3A_152 : memref<128x32xf32, #tpu.memory_space<vmem>>) dst(%dma_wait3A_158 : memref<10240x32xf32, #tpu.memory_space<vmem_shared>>)
    %dma_wait3A_159 = arith.constant 5 : i32
    %dma_wait3A_160 = arith.constant 77 : i32
    %dma_wait3A_161 = arith.constant 0 : i32
    %dma_wait3A_162 = arith.constant 0 : i32
    %dma_wait3A_163 = tpu.memref_slice %arg9[%dma_wait3A_159, %dma_wait3A_161, %dma_wait3A_162] : memref<12x128x32xf32, #tpu.memory_space<vmem>> -> memref<1x128x32xf32, #tpu.memory_space<vmem>>
    %dma_wait3A_164 = tpu.memref_squeeze %dma_wait3A_163 : memref<1x128x32xf32, #tpu.memory_space<vmem>> -> memref<128x32xf32, #tpu.memory_space<vmem>>
    %dma_wait3A_165 = arith.constant 0 : i32
    %dma_wait3A_166 = tpu.memref_slice %arg8[%dma_wait3A_160, %dma_wait3A_165] : memref<80x128xi32, #tpu.memory_space<vmem>> -> memref<1x128xi32, #tpu.memory_space<vmem>>
    %dma_wait3A_167 = tpu.memref_squeeze %dma_wait3A_166 : memref<1x128xi32, #tpu.memory_space<vmem>> -> memref<128xi32, #tpu.memory_space<vmem>>
    %dma_wait3A_168 = arith.constant 0 : i32
    %dma_wait3A_169 = arith.constant 0 : i32
    %dma_wait3A_170 = tpu.memref_slice %arg6[%dma_wait3A_168, %dma_wait3A_169] : memref<10240x32xf32, #tpu.memory_space<vmem_shared>> -> memref<10240x32xf32, #tpu.memory_space<vmem_shared>>
    tpu.wait_indirect_dma semaphore(%arg12 : memref<!tpu.dma_semaphore, #tpu.memory_space<semaphore_mem>>) src(%dma_wait3A_164 : memref<128x32xf32, #tpu.memory_space<vmem>>) dst(%dma_wait3A_170 : memref<10240x32xf32, #tpu.memory_space<vmem_shared>>)
    %dma_wait3A_171 = arith.constant 6 : i32
    %dma_wait3A_172 = arith.constant 78 : i32
    %dma_wait3A_173 = arith.constant 0 : i32
    %dma_wait3A_174 = arith.constant 0 : i32
    %dma_wait3A_175 = tpu.memref_slice %arg9[%dma_wait3A_171, %dma_wait3A_173, %dma_wait3A_174] : memref<12x128x32xf32, #tpu.memory_space<vmem>> -> memref<1x128x32xf32, #tpu.memory_space<vmem>>
    %dma_wait3A_176 = tpu.memref_squeeze %dma_wait3A_175 : memref<1x128x32xf32, #tpu.memory_space<vmem>> -> memref<128x32xf32, #tpu.memory_space<vmem>>
    %dma_wait3A_177 = arith.constant 0 : i32
    %dma_wait3A_178 = tpu.memref_slice %arg8[%dma_wait3A_172, %dma_wait3A_177] : memref<80x128xi32, #tpu.memory_space<vmem>> -> memref<1x128xi32, #tpu.memory_space<vmem>>
    %dma_wait3A_179 = tpu.memref_squeeze %dma_wait3A_178 : memref<1x128xi32, #tpu.memory_space<vmem>> -> memref<128xi32, #tpu.memory_space<vmem>>
    %dma_wait3A_180 = arith.constant 0 : i32
    %dma_wait3A_181 = arith.constant 0 : i32
    %dma_wait3A_182 = tpu.memref_slice %arg6[%dma_wait3A_180, %dma_wait3A_181] : memref<10240x32xf32, #tpu.memory_space<vmem_shared>> -> memref<10240x32xf32, #tpu.memory_space<vmem_shared>>
    tpu.wait_indirect_dma semaphore(%arg12 : memref<!tpu.dma_semaphore, #tpu.memory_space<semaphore_mem>>) src(%dma_wait3A_176 : memref<128x32xf32, #tpu.memory_space<vmem>>) dst(%dma_wait3A_182 : memref<10240x32xf32, #tpu.memory_space<vmem_shared>>)
    %dma_wait3A_183 = arith.constant 7 : i32
    %dma_wait3A_184 = arith.constant 79 : i32
    %dma_wait3A_185 = arith.constant 0 : i32
    %dma_wait3A_186 = arith.constant 0 : i32
    %dma_wait3A_187 = tpu.memref_slice %arg9[%dma_wait3A_183, %dma_wait3A_185, %dma_wait3A_186] : memref<12x128x32xf32, #tpu.memory_space<vmem>> -> memref<1x128x32xf32, #tpu.memory_space<vmem>>
    %dma_wait3A_188 = tpu.memref_squeeze %dma_wait3A_187 : memref<1x128x32xf32, #tpu.memory_space<vmem>> -> memref<128x32xf32, #tpu.memory_space<vmem>>
    %dma_wait3A_189 = arith.constant 0 : i32
    %dma_wait3A_190 = tpu.memref_slice %arg8[%dma_wait3A_184, %dma_wait3A_189] : memref<80x128xi32, #tpu.memory_space<vmem>> -> memref<1x128xi32, #tpu.memory_space<vmem>>
    %dma_wait3A_191 = tpu.memref_squeeze %dma_wait3A_190 : memref<1x128xi32, #tpu.memory_space<vmem>> -> memref<128xi32, #tpu.memory_space<vmem>>
    %dma_wait3A_192 = arith.constant 0 : i32
    %dma_wait3A_193 = arith.constant 0 : i32
    %dma_wait3A_194 = tpu.memref_slice %arg6[%dma_wait3A_192, %dma_wait3A_193] : memref<10240x32xf32, #tpu.memory_space<vmem_shared>> -> memref<10240x32xf32, #tpu.memory_space<vmem_shared>>
    tpu.wait_indirect_dma semaphore(%arg12 : memref<!tpu.dma_semaphore, #tpu.memory_space<semaphore_mem>>) src(%dma_wait3A_188 : memref<128x32xf32, #tpu.memory_space<vmem>>) dst(%dma_wait3A_194 : memref<10240x32xf32, #tpu.memory_space<vmem_shared>>)
    %barrier3A_195 = arith.constant 0 : index
    tpu.barrier barrier_id(%barrier3A_195)
    %mul3A_196 = arith.constant 640 : i32
    %mul3A_197 = arith.muli %arg1, %mul3A_196 : i32
    %mul3A_198 = arith.constant 640 : i32
    %mul3A_199 = arith.muli %arg1, %mul3A_198 : i32
    "tpu.region"() ({
      %run_scoped3A = tpu.sem_alloc : memref<!tpu.dma_semaphore, #tpu.memory_space<semaphore_mem>>
      %dma_start3A_200 = arith.constant 0 : i32
      %dma_start3A_201 = tpu.memref_slice %arg5[%arg0, %mul3A_199, %dma_start3A_200] : memref<2x10240x32xf32, #tpu.memory_space<hbm>> -> memref<1x640x32xf32, #tpu.memory_space<hbm>>
      %dma_start3A_202 = tpu.memref_squeeze %dma_start3A_201 : memref<1x640x32xf32, #tpu.memory_space<hbm>> -> memref<640x32xf32, #tpu.memory_space<hbm>>
      %dma_start3A_203 = arith.constant 0 : i32
      %dma_start3A_204 = tpu.memref_slice %arg6[%mul3A_197, %dma_start3A_203] : memref<10240x32xf32, #tpu.memory_space<vmem_shared>> -> memref<640x32xf32, #tpu.memory_space<vmem_shared>>
      tpu.enqueue_dma source(%dma_start3A_204 : memref<640x32xf32, #tpu.memory_space<vmem_shared>>) target(%dma_start3A_202 : memref<640x32xf32, #tpu.memory_space<hbm>>) target_semaphore(%run_scoped3A : memref<!tpu.dma_semaphore, #tpu.memory_space<semaphore_mem>>)
      %dma_wait3A_205 = arith.constant 0 : i32
      %dma_wait3A_206 = tpu.memref_slice %arg5[%arg0, %mul3A_199, %dma_wait3A_205] : memref<2x10240x32xf32, #tpu.memory_space<hbm>> -> memref<1x640x32xf32, #tpu.memory_space<hbm>>
      %dma_wait3A_207 = tpu.memref_squeeze %dma_wait3A_206 : memref<1x640x32xf32, #tpu.memory_space<hbm>> -> memref<640x32xf32, #tpu.memory_space<hbm>>
      %dma_wait3A_208 = arith.constant 0 : i32
      %dma_wait3A_209 = tpu.memref_slice %arg6[%mul3A_197, %dma_wait3A_208] : memref<10240x32xf32, #tpu.memory_space<vmem_shared>> -> memref<640x32xf32, #tpu.memory_space<vmem_shared>>
      tpu.wait_dma2 semaphore(%run_scoped3A : memref<!tpu.dma_semaphore, #tpu.memory_space<semaphore_mem>>) src(%dma_wait3A_209 : memref<640x32xf32, #tpu.memory_space<vmem_shared>>) dst(%dma_wait3A_207 : memref<640x32xf32, #tpu.memory_space<hbm>>)
      tpu.yield
    }) : () -> ()
    return
  }
}

#map = affine_map<(d0, d1) -> (0, 0)>
module attributes {stable_mosaic.version = 14 : i64} {
  func.func @_sc_degree_body(%arg0: i32, %arg1: i32, %arg2: memref<2560x128xi32, #tpu.memory_space<hbm>>, %arg3: memref<32x10240xf32, #tpu.memory_space<hbm>>, %arg4: memref<80x128xi32, #tpu.memory_space<vmem>>, %arg5: memref<10240xf32, #tpu.memory_space<vmem>>, %arg6: memref<!tpu.dma_semaphore, #tpu.memory_space<semaphore_mem>>) attributes {dimension_semantics = [#tpu.dimension_semantics<core_parallel>, #tpu.dimension_semantics<subcore_parallel>], iteration_bounds = array<i64: 2, 16>, scalar_prefetch = 0 : i64, scratch_operands = 3 : i64, tpu.core_type = #tpu.core_type<sc_vector_subcore>, window_params = [{transform_indices = #map}, {transform_indices = #map}]} {
    %mul3A = arith.constant 2 : i32
    %mul3A_0 = arith.muli %arg1, %mul3A : i32
    %add3A = arith.addi %mul3A_0, %arg0 : i32
    %broadcast_in_dim3A = arith.constant 0.000000e+00 : f32
    %broadcast_in_dim3A_1 = vector.broadcast %broadcast_in_dim3A : f32 to vector<16xf32>
    %mul3A_2 = arith.constant 80 : i32
    %mul3A_3 = arith.muli %add3A, %mul3A_2 : i32
    %dma_start3A = arith.constant 0 : i32
    %dma_start3A_4 = tpu.memref_slice %arg2[%mul3A_3, %dma_start3A] : memref<2560x128xi32, #tpu.memory_space<hbm>> -> memref<80x128xi32, #tpu.memory_space<hbm>>
    %dma_start3A_5 = arith.constant 0 : i32
    %dma_start3A_6 = tpu.memref_slice %arg2[%mul3A_3, %dma_start3A_5] : memref<2560x128xi32, #tpu.memory_space<hbm>> -> memref<80x128xi32, #tpu.memory_space<hbm>>
    tpu.enqueue_dma source(%dma_start3A_6 : memref<80x128xi32, #tpu.memory_space<hbm>>) target(%arg4 : memref<80x128xi32, #tpu.memory_space<vmem>>) target_semaphore(%arg6 : memref<!tpu.dma_semaphore, #tpu.memory_space<semaphore_mem>>)
    %scan3A = arith.constant 0 : i32
    %scan3A_7 = arith.constant 0 : i32
    %scan3A_8 = arith.constant 640 : i32
    %scan3A_9 = arith.addi %scan3A_7, %scan3A_8 : i32
    %scan3A_10 = arith.constant 1 : i32
    scf.for %scan3A_23 = %scan3A_7 to %scan3A_9 step %scan3A_10  : i32 {
      %mul3A_24 = arith.constant 16 : i32
      %mul3A_25 = arith.muli %scan3A_23, %mul3A_24 : i32
      %swap3A = arith.index_cast %mul3A_25 : i32 to index
      %swap3A_26 = tpu.vector_load %arg5[%swap3A] {strides = array<i32>} : memref<10240xf32, #tpu.memory_space<vmem>>, vector<16xf32>,
      tpu.vector_store %arg5[%swap3A], %broadcast_in_dim3A_1 {strides = array<i32>} : memref<10240xf32, #tpu.memory_space<vmem>>, vector<16xf32>,
    }
    %scan3A_11 = arith.constant 640 : i32
    %dma_wait3A = arith.constant 0 : i32
    %dma_wait3A_12 = tpu.memref_slice %arg2[%mul3A_3, %dma_wait3A] : memref<2560x128xi32, #tpu.memory_space<hbm>> -> memref<80x128xi32, #tpu.memory_space<hbm>>
    %dma_wait3A_13 = arith.constant 0 : i32
    %dma_wait3A_14 = tpu.memref_slice %arg2[%mul3A_3, %dma_wait3A_13] : memref<2560x128xi32, #tpu.memory_space<hbm>> -> memref<80x128xi32, #tpu.memory_space<hbm>>
    tpu.wait_dma2 semaphore(%arg6 : memref<!tpu.dma_semaphore, #tpu.memory_space<semaphore_mem>>) src(%dma_wait3A_14 : memref<80x128xi32, #tpu.memory_space<hbm>>) dst(%arg4 : memref<80x128xi32, #tpu.memory_space<vmem>>)
    %broadcast_in_dim3A_15 = arith.constant 1.000000e+00 : f32
    %broadcast_in_dim3A_16 = vector.broadcast %broadcast_in_dim3A_15 : f32 to vector<16xf32>
    %scan3A_17 = arith.constant 0 : i32
    %scan3A_18 = arith.constant 0 : i32
    %scan3A_19 = arith.constant 80 : i32
    %scan3A_20 = arith.addi %scan3A_18, %scan3A_19 : i32
    %scan3A_21 = arith.constant 1 : i32
    scf.for %scan3A_23 = %scan3A_18 to %scan3A_20 step %scan3A_21  : i32 {
      %get3A = arith.index_cast %scan3A_23 : i32 to index
      %get3A_24 = arith.constant 0 : index
      %get3A_25 = tpu.vector_load %arg4[%get3A, %get3A_24] {strides = array<i32>} : memref<80x128xi32, #tpu.memory_space<vmem>>, vector<16xi32>,
      tpu.vector_store_idx %arg5[%get3A_25], %broadcast_in_dim3A_16 {add = true} : memref<10240xf32, #tpu.memory_space<vmem>>[vector<16xi32>], vector<16xf32>,
      %get3A_26 = arith.index_cast %scan3A_23 : i32 to index
      %get3A_27 = arith.constant 16 : index
      %get3A_28 = tpu.vector_load %arg4[%get3A_26, %get3A_27] {strides = array<i32>} : memref<80x128xi32, #tpu.memory_space<vmem>>, vector<16xi32>,
      tpu.vector_store_idx %arg5[%get3A_28], %broadcast_in_dim3A_16 {add = true} : memref<10240xf32, #tpu.memory_space<vmem>>[vector<16xi32>], vector<16xf32>,
      %get3A_29 = arith.index_cast %scan3A_23 : i32 to index
      %get3A_30 = arith.constant 32 : index
      %get3A_31 = tpu.vector_load %arg4[%get3A_29, %get3A_30] {strides = array<i32>} : memref<80x128xi32, #tpu.memory_space<vmem>>, vector<16xi32>,
      tpu.vector_store_idx %arg5[%get3A_31], %broadcast_in_dim3A_16 {add = true} : memref<10240xf32, #tpu.memory_space<vmem>>[vector<16xi32>], vector<16xf32>,
      %get3A_32 = arith.index_cast %scan3A_23 : i32 to index
      %get3A_33 = arith.constant 48 : index
      %get3A_34 = tpu.vector_load %arg4[%get3A_32, %get3A_33] {strides = array<i32>} : memref<80x128xi32, #tpu.memory_space<vmem>>, vector<16xi32>,
      tpu.vector_store_idx %arg5[%get3A_34], %broadcast_in_dim3A_16 {add = true} : memref<10240xf32, #tpu.memory_space<vmem>>[vector<16xi32>], vector<16xf32>,
      %get3A_35 = arith.index_cast %scan3A_23 : i32 to index
      %get3A_36 = arith.constant 64 : index
      %get3A_37 = tpu.vector_load %arg4[%get3A_35, %get3A_36] {strides = array<i32>} : memref<80x128xi32, #tpu.memory_space<vmem>>, vector<16xi32>,
      tpu.vector_store_idx %arg5[%get3A_37], %broadcast_in_dim3A_16 {add = true} : memref<10240xf32, #tpu.memory_space<vmem>>[vector<16xi32>], vector<16xf32>,
      %get3A_38 = arith.index_cast %scan3A_23 : i32 to index
      %get3A_39 = arith.constant 80 : index
      %get3A_40 = tpu.vector_load %arg4[%get3A_38, %get3A_39] {strides = array<i32>} : memref<80x128xi32, #tpu.memory_space<vmem>>, vector<16xi32>,
      tpu.vector_store_idx %arg5[%get3A_40], %broadcast_in_dim3A_16 {add = true} : memref<10240xf32, #tpu.memory_space<vmem>>[vector<16xi32>], vector<16xf32>,
      %get3A_41 = arith.index_cast %scan3A_23 : i32 to index
      %get3A_42 = arith.constant 96 : index
      %get3A_43 = tpu.vector_load %arg4[%get3A_41, %get3A_42] {strides = array<i32>} : memref<80x128xi32, #tpu.memory_space<vmem>>, vector<16xi32>,
      tpu.vector_store_idx %arg5[%get3A_43], %broadcast_in_dim3A_16 {add = true} : memref<10240xf32, #tpu.memory_space<vmem>>[vector<16xi32>], vector<16xf32>,
      %get3A_44 = arith.index_cast %scan3A_23 : i32 to index
      %get3A_45 = arith.constant 112 : index
      %get3A_46 = tpu.vector_load %arg4[%get3A_44, %get3A_45] {strides = array<i32>} : memref<80x128xi32, #tpu.memory_space<vmem>>, vector<16xi32>,
      tpu.vector_store_idx %arg5[%get3A_46], %broadcast_in_dim3A_16 {add = true} : memref<10240xf32, #tpu.memory_space<vmem>>[vector<16xi32>], vector<16xf32>,
    }
    %scan3A_22 = arith.constant 80 : i32
    "tpu.region"() ({
      %run_scoped3A = tpu.sem_alloc : memref<!tpu.dma_semaphore, #tpu.memory_space<semaphore_mem>>
      %dma_start3A_23 = arith.constant 0 : i32
      %dma_start3A_24 = tpu.memref_slice %arg3[%add3A, %dma_start3A_23] : memref<32x10240xf32, #tpu.memory_space<hbm>> -> memref<1x10240xf32, #tpu.memory_space<hbm>>
      %dma_start3A_25 = tpu.memref_squeeze %dma_start3A_24 : memref<1x10240xf32, #tpu.memory_space<hbm>> -> memref<10240xf32, #tpu.memory_space<hbm>>
      %dma_start3A_26 = arith.constant 0 : i32
      %dma_start3A_27 = tpu.memref_slice %arg3[%add3A, %dma_start3A_26] : memref<32x10240xf32, #tpu.memory_space<hbm>> -> memref<1x10240xf32, #tpu.memory_space<hbm>>
      %dma_start3A_28 = tpu.memref_squeeze %dma_start3A_27 : memref<1x10240xf32, #tpu.memory_space<hbm>> -> memref<10240xf32, #tpu.memory_space<hbm>>
      tpu.enqueue_dma source(%arg5 : memref<10240xf32, #tpu.memory_space<vmem>>) target(%dma_start3A_28 : memref<10240xf32, #tpu.memory_space<hbm>>) target_semaphore(%run_scoped3A : memref<!tpu.dma_semaphore, #tpu.memory_space<semaphore_mem>>)
      %dma_wait3A_29 = arith.constant 0 : i32
      %dma_wait3A_30 = tpu.memref_slice %arg3[%add3A, %dma_wait3A_29] : memref<32x10240xf32, #tpu.memory_space<hbm>> -> memref<1x10240xf32, #tpu.memory_space<hbm>>
      %dma_wait3A_31 = tpu.memref_squeeze %dma_wait3A_30 : memref<1x10240xf32, #tpu.memory_space<hbm>> -> memref<10240xf32, #tpu.memory_space<hbm>>
      %dma_wait3A_32 = arith.constant 0 : i32
      %dma_wait3A_33 = tpu.memref_slice %arg3[%add3A, %dma_wait3A_32] : memref<32x10240xf32, #tpu.memory_space<hbm>> -> memref<1x10240xf32, #tpu.memory_space<hbm>>
      %dma_wait3A_34 = tpu.memref_squeeze %dma_wait3A_33 : memref<1x10240xf32, #tpu.memory_space<hbm>> -> memref<10240xf32, #tpu.memory_space<hbm>>
      tpu.wait_dma2 semaphore(%run_scoped3A : memref<!tpu.dma_semaphore, #tpu.memory_space<semaphore_mem>>) src(%arg5 : memref<10240xf32, #tpu.memory_space<vmem>>) dst(%dma_wait3A_34 : memref<10240xf32, #tpu.memory_space<hbm>>)
      tpu.yield
    }) : () -> ()
    return
  }
}

#map = affine_map<(d0, d1) -> (0, 0)>
#map1 = affine_map<(d0, d1) -> (0, 0, 0)>
module attributes {stable_mosaic.version = 14 : i64} {
  func.func @_sc_conv_body(%arg0: i32, %arg1: i32, %arg2: memref<10000x32xf32, #tpu.memory_space<hbm>>, %arg3: memref<2560x128xi32, #tpu.memory_space<hbm>>, %arg4: memref<2560x128xi32, #tpu.memory_space<hbm>>, %arg5: memref<2x10240x32xf32, #tpu.memory_space<hbm>>, %arg6: memref<10240x32xf32, #tpu.memory_space<vmem_shared>>, %arg7: memref<80x128xi32, #tpu.memory_space<vmem>>, %arg8: memref<80x128xi32, #tpu.memory_space<vmem>>, %arg9: memref<12x128x32xf32, #tpu.memory_space<vmem>>, %arg10: memref<128x32xf32, #tpu.memory_space<vmem>>, %arg11: memref<!tpu.dma_semaphore, #tpu.memory_space<semaphore_mem>>, %arg12: memref<!tpu.dma_semaphore, #tpu.memory_space<semaphore_mem>>, %arg13: memref<!tpu.dma_semaphore, #tpu.memory_space<semaphore_mem>>) attributes {dimension_semantics = [#tpu.dimension_semantics<core_parallel>, #tpu.dimension_semantics<subcore_parallel>], iteration_bounds = array<i64: 2, 16>, scalar_prefetch = 0 : i64, scratch_operands = 8 : i64, tpu.core_type = #tpu.core_type<sc_vector_subcore>, window_params = [{transform_indices = #map}, {transform_indices = #map}, {transform_indices = #map}, {transform_indices = #map1}]} {
    %mul3A = arith.constant 2 : i32
    %mul3A_0 = arith.muli %arg1, %mul3A : i32
    %add3A = arith.addi %mul3A_0, %arg0 : i32
    %broadcast_in_dim3A = arith.constant 0.000000e+00 : f32
    %broadcast_in_dim3A_1 = vector.broadcast %broadcast_in_dim3A : f32 to vector<16xf32>
    %mul3A_2 = arith.constant 80 : i32
    %mul3A_3 = arith.muli %add3A, %mul3A_2 : i32
    %dma_start3A = arith.constant 0 : i32
    %dma_start3A_4 = tpu.memref_slice %arg3[%mul3A_3, %dma_start3A] : memref<2560x128xi32, #tpu.memory_space<hbm>> -> memref<80x128xi32, #tpu.memory_space<hbm>>
    %dma_start3A_5 = arith.constant 0 : i32
    %dma_start3A_6 = tpu.memref_slice %arg3[%mul3A_3, %dma_start3A_5] : memref<2560x128xi32, #tpu.memory_space<hbm>> -> memref<80x128xi32, #tpu.memory_space<hbm>>
    tpu.enqueue_dma source(%dma_start3A_6 : memref<80x128xi32, #tpu.memory_space<hbm>>) target(%arg7 : memref<80x128xi32, #tpu.memory_space<vmem>>) target_semaphore(%arg13 : memref<!tpu.dma_semaphore, #tpu.memory_space<semaphore_mem>>)
    %mul3A_7 = arith.constant 80 : i32
    %mul3A_8 = arith.muli %add3A, %mul3A_7 : i32
    %dma_start3A_9 = arith.constant 0 : i32
    %dma_start3A_10 = tpu.memref_slice %arg4[%mul3A_8, %dma_start3A_9] : memref<2560x128xi32, #tpu.memory_space<hbm>> -> memref<80x128xi32, #tpu.memory_space<hbm>>
    %dma_start3A_11 = arith.constant 0 : i32
    %dma_start3A_12 = tpu.memref_slice %arg4[%mul3A_8, %dma_start3A_11] : memref<2560x128xi32, #tpu.memory_space<hbm>> -> memref<80x128xi32, #tpu.memory_space<hbm>>
    tpu.enqueue_dma source(%dma_start3A_12 : memref<80x128xi32, #tpu.memory_space<hbm>>) target(%arg8 : memref<80x128xi32, #tpu.memory_space<vmem>>) target_semaphore(%arg13 : memref<!tpu.dma_semaphore, #tpu.memory_space<semaphore_mem>>)
    %scan3A = arith.constant 0 : i32
    %scan3A_13 = arith.constant 0 : i32
    %scan3A_14 = arith.constant 128 : i32
    %scan3A_15 = arith.addi %scan3A_13, %scan3A_14 : i32
    %scan3A_16 = arith.constant 1 : i32
    scf.for %scan3A_200 = %scan3A_13 to %scan3A_15 step %scan3A_16  : i32 {
      %swap3A = arith.index_cast %scan3A_200 : i32 to index
      %swap3A_201 = arith.constant 0 : index
      %swap3A_202 = tpu.vector_load %arg10[%swap3A, %swap3A_201] {strides = array<i32>} : memref<128x32xf32, #tpu.memory_space<vmem>>, vector<16xf32>,
      tpu.vector_store %arg10[%swap3A, %swap3A_201], %broadcast_in_dim3A_1 {strides = array<i32>} : memref<128x32xf32, #tpu.memory_space<vmem>>, vector<16xf32>,
      %swap3A_203 = arith.index_cast %scan3A_200 : i32 to index
      %swap3A_204 = arith.constant 16 : index
      %swap3A_205 = tpu.vector_load %arg10[%swap3A_203, %swap3A_204] {strides = array<i32>} : memref<128x32xf32, #tpu.memory_space<vmem>>, vector<16xf32>,
      tpu.vector_store %arg10[%swap3A_203, %swap3A_204], %broadcast_in_dim3A_1 {strides = array<i32>} : memref<128x32xf32, #tpu.memory_space<vmem>>, vector<16xf32>,
    }
    %scan3A_17 = arith.constant 128 : i32
    %mul3A_18 = arith.constant 640 : i32
    %mul3A_19 = arith.muli %arg1, %mul3A_18 : i32
    %add3A_20 = arith.constant 0 : i32
    %add3A_21 = arith.addi %mul3A_19, %add3A_20 : i32
    "tpu.region"() ({
      %run_scoped3A = tpu.sem_alloc : memref<!tpu.dma_semaphore, #tpu.memory_space<semaphore_mem>>
      %dma_start3A_200 = arith.constant 0 : i32
      %dma_start3A_201 = tpu.memref_slice %arg6[%add3A_21, %dma_start3A_200] : memref<10240x32xf32, #tpu.memory_space<vmem_shared>> -> memref<128x32xf32, #tpu.memory_space<vmem_shared>>
      %dma_start3A_202 = arith.constant 0 : i32
      %dma_start3A_203 = tpu.memref_slice %arg6[%add3A_21, %dma_start3A_202] : memref<10240x32xf32, #tpu.memory_space<vmem_shared>> -> memref<128x32xf32, #tpu.memory_space<vmem_shared>>
      tpu.enqueue_dma source(%arg10 : memref<128x32xf32, #tpu.memory_space<vmem>>) target(%dma_start3A_203 : memref<128x32xf32, #tpu.memory_space<vmem_shared>>) target_semaphore(%run_scoped3A : memref<!tpu.dma_semaphore, #tpu.memory_space<semaphore_mem>>)
      %dma_wait3A_204 = arith.constant 0 : i32
      %dma_wait3A_205 = tpu.memref_slice %arg6[%add3A_21, %dma_wait3A_204] : memref<10240x32xf32, #tpu.memory_space<vmem_shared>> -> memref<128x32xf32, #tpu.memory_space<vmem_shared>>
      %dma_wait3A_206 = arith.constant 0 : i32
      %dma_wait3A_207 = tpu.memref_slice %arg6[%add3A_21, %dma_wait3A_206] : memref<10240x32xf32, #tpu.memory_space<vmem_shared>> -> memref<128x32xf32, #tpu.memory_space<vmem_shared>>
      tpu.wait_dma2 semaphore(%run_scoped3A : memref<!tpu.dma_semaphore, #tpu.memory_space<semaphore_mem>>) src(%arg10 : memref<128x32xf32, #tpu.memory_space<vmem>>) dst(%dma_wait3A_207 : memref<128x32xf32, #tpu.memory_space<vmem_shared>>)
      tpu.yield
    }) : () -> ()
    %mul3A_22 = arith.constant 640 : i32
    %mul3A_23 = arith.muli %arg1, %mul3A_22 : i32
    %add3A_24 = arith.constant 128 : i32
    %add3A_25 = arith.addi %mul3A_23, %add3A_24 : i32
    "tpu.region"() ({
      %run_scoped3A = tpu.sem_alloc : memref<!tpu.dma_semaphore, #tpu.memory_space<semaphore_mem>>
      %dma_start3A_200 = arith.constant 0 : i32
      %dma_start3A_201 = tpu.memref_slice %arg6[%add3A_25, %dma_start3A_200] : memref<10240x32xf32, #tpu.memory_space<vmem_shared>> -> memref<128x32xf32, #tpu.memory_space<vmem_shared>>
      %dma_start3A_202 = arith.constant 0 : i32
      %dma_start3A_203 = tpu.memref_slice %arg6[%add3A_25, %dma_start3A_202] : memref<10240x32xf32, #tpu.memory_space<vmem_shared>> -> memref<128x32xf32, #tpu.memory_space<vmem_shared>>
      tpu.enqueue_dma source(%arg10 : memref<128x32xf32, #tpu.memory_space<vmem>>) target(%dma_start3A_203 : memref<128x32xf32, #tpu.memory_space<vmem_shared>>) target_semaphore(%run_scoped3A : memref<!tpu.dma_semaphore, #tpu.memory_space<semaphore_mem>>)
      %dma_wait3A_204 = arith.constant 0 : i32
      %dma_wait3A_205 = tpu.memref_slice %arg6[%add3A_25, %dma_wait3A_204] : memref<10240x32xf32, #tpu.memory_space<vmem_shared>> -> memref<128x32xf32, #tpu.memory_space<vmem_shared>>
      %dma_wait3A_206 = arith.constant 0 : i32
      %dma_wait3A_207 = tpu.memref_slice %arg6[%add3A_25, %dma_wait3A_206] : memref<10240x32xf32, #tpu.memory_space<vmem_shared>> -> memref<128x32xf32, #tpu.memory_space<vmem_shared>>
      tpu.wait_dma2 semaphore(%run_scoped3A : memref<!tpu.dma_semaphore, #tpu.memory_space<semaphore_mem>>) src(%arg10 : memref<128x32xf32, #tpu.memory_space<vmem>>) dst(%dma_wait3A_207 : memref<128x32xf32, #tpu.memory_space<vmem_shared>>)
      tpu.yield
    }) : () -> ()
    %mul3A_26 = arith.constant 640 : i32
    %mul3A_27 = arith.muli %arg1, %mul3A_26 : i32
    %add3A_28 = arith.constant 256 : i32
    %add3A_29 = arith.addi %mul3A_27, %add3A_28 : i32
    "tpu.region"() ({
      %run_scoped3A = tpu.sem_alloc : memref<!tpu.dma_semaphore, #tpu.memory_space<semaphore_mem>>
      %dma_start3A_200 = arith.constant 0 : i32
      %dma_start3A_201 = tpu.memref_slice %arg6[%add3A_29, %dma_start3A_200] : memref<10240x32xf32, #tpu.memory_space<vmem_shared>> -> memref<128x32xf32, #tpu.memory_space<vmem_shared>>
      %dma_start3A_202 = arith.constant 0 : i32
      %dma_start3A_203 = tpu.memref_slice %arg6[%add3A_29, %dma_start3A_202] : memref<10240x32xf32, #tpu.memory_space<vmem_shared>> -> memref<128x32xf32, #tpu.memory_space<vmem_shared>>
      tpu.enqueue_dma source(%arg10 : memref<128x32xf32, #tpu.memory_space<vmem>>) target(%dma_start3A_203 : memref<128x32xf32, #tpu.memory_space<vmem_shared>>) target_semaphore(%run_scoped3A : memref<!tpu.dma_semaphore, #tpu.memory_space<semaphore_mem>>)
      %dma_wait3A_204 = arith.constant 0 : i32
      %dma_wait3A_205 = tpu.memref_slice %arg6[%add3A_29, %dma_wait3A_204] : memref<10240x32xf32, #tpu.memory_space<vmem_shared>> -> memref<128x32xf32, #tpu.memory_space<vmem_shared>>
      %dma_wait3A_206 = arith.constant 0 : i32
      %dma_wait3A_207 = tpu.memref_slice %arg6[%add3A_29, %dma_wait3A_206] : memref<10240x32xf32, #tpu.memory_space<vmem_shared>> -> memref<128x32xf32, #tpu.memory_space<vmem_shared>>
      tpu.wait_dma2 semaphore(%run_scoped3A : memref<!tpu.dma_semaphore, #tpu.memory_space<semaphore_mem>>) src(%arg10 : memref<128x32xf32, #tpu.memory_space<vmem>>) dst(%dma_wait3A_207 : memref<128x32xf32, #tpu.memory_space<vmem_shared>>)
      tpu.yield
    }) : () -> ()
    %mul3A_30 = arith.constant 640 : i32
    %mul3A_31 = arith.muli %arg1, %mul3A_30 : i32
    %add3A_32 = arith.constant 384 : i32
    %add3A_33 = arith.addi %mul3A_31, %add3A_32 : i32
    "tpu.region"() ({
      %run_scoped3A = tpu.sem_alloc : memref<!tpu.dma_semaphore, #tpu.memory_space<semaphore_mem>>
      %dma_start3A_200 = arith.constant 0 : i32
      %dma_start3A_201 = tpu.memref_slice %arg6[%add3A_33, %dma_start3A_200] : memref<10240x32xf32, #tpu.memory_space<vmem_shared>> -> memref<128x32xf32, #tpu.memory_space<vmem_shared>>
      %dma_start3A_202 = arith.constant 0 : i32
      %dma_start3A_203 = tpu.memref_slice %arg6[%add3A_33, %dma_start3A_202] : memref<10240x32xf32, #tpu.memory_space<vmem_shared>> -> memref<128x32xf32, #tpu.memory_space<vmem_shared>>
      tpu.enqueue_dma source(%arg10 : memref<128x32xf32, #tpu.memory_space<vmem>>) target(%dma_start3A_203 : memref<128x32xf32, #tpu.memory_space<vmem_shared>>) target_semaphore(%run_scoped3A : memref<!tpu.dma_semaphore, #tpu.memory_space<semaphore_mem>>)
      %dma_wait3A_204 = arith.constant 0 : i32
      %dma_wait3A_205 = tpu.memref_slice %arg6[%add3A_33, %dma_wait3A_204] : memref<10240x32xf32, #tpu.memory_space<vmem_shared>> -> memref<128x32xf32, #tpu.memory_space<vmem_shared>>
      %dma_wait3A_206 = arith.constant 0 : i32
      %dma_wait3A_207 = tpu.memref_slice %arg6[%add3A_33, %dma_wait3A_206] : memref<10240x32xf32, #tpu.memory_space<vmem_shared>> -> memref<128x32xf32, #tpu.memory_space<vmem_shared>>
      tpu.wait_dma2 semaphore(%run_scoped3A : memref<!tpu.dma_semaphore, #tpu.memory_space<semaphore_mem>>) src(%arg10 : memref<128x32xf32, #tpu.memory_space<vmem>>) dst(%dma_wait3A_207 : memref<128x32xf32, #tpu.memory_space<vmem_shared>>)
      tpu.yield
    }) : () -> ()
    %mul3A_34 = arith.constant 640 : i32
    %mul3A_35 = arith.muli %arg1, %mul3A_34 : i32
    %add3A_36 = arith.constant 512 : i32
    %add3A_37 = arith.addi %mul3A_35, %add3A_36 : i32
    "tpu.region"() ({
      %run_scoped3A = tpu.sem_alloc : memref<!tpu.dma_semaphore, #tpu.memory_space<semaphore_mem>>
      %dma_start3A_200 = arith.constant 0 : i32
      %dma_start3A_201 = tpu.memref_slice %arg6[%add3A_37, %dma_start3A_200] : memref<10240x32xf32, #tpu.memory_space<vmem_shared>> -> memref<128x32xf32, #tpu.memory_space<vmem_shared>>
      %dma_start3A_202 = arith.constant 0 : i32
      %dma_start3A_203 = tpu.memref_slice %arg6[%add3A_37, %dma_start3A_202] : memref<10240x32xf32, #tpu.memory_space<vmem_shared>> -> memref<128x32xf32, #tpu.memory_space<vmem_shared>>
      tpu.enqueue_dma source(%arg10 : memref<128x32xf32, #tpu.memory_space<vmem>>) target(%dma_start3A_203 : memref<128x32xf32, #tpu.memory_space<vmem_shared>>) target_semaphore(%run_scoped3A : memref<!tpu.dma_semaphore, #tpu.memory_space<semaphore_mem>>)
      %dma_wait3A_204 = arith.constant 0 : i32
      %dma_wait3A_205 = tpu.memref_slice %arg6[%add3A_37, %dma_wait3A_204] : memref<10240x32xf32, #tpu.memory_space<vmem_shared>> -> memref<128x32xf32, #tpu.memory_space<vmem_shared>>
      %dma_wait3A_206 = arith.constant 0 : i32
      %dma_wait3A_207 = tpu.memref_slice %arg6[%add3A_37, %dma_wait3A_206] : memref<10240x32xf32, #tpu.memory_space<vmem_shared>> -> memref<128x32xf32, #tpu.memory_space<vmem_shared>>
      tpu.wait_dma2 semaphore(%run_scoped3A : memref<!tpu.dma_semaphore, #tpu.memory_space<semaphore_mem>>) src(%arg10 : memref<128x32xf32, #tpu.memory_space<vmem>>) dst(%dma_wait3A_207 : memref<128x32xf32, #tpu.memory_space<vmem_shared>>)
      tpu.yield
    }) : () -> ()
    %dma_wait3A = arith.constant 0 : i32
    %dma_wait3A_38 = tpu.memref_slice %arg3[%mul3A_3, %dma_wait3A] : memref<2560x128xi32, #tpu.memory_space<hbm>> -> memref<80x128xi32, #tpu.memory_space<hbm>>
    %dma_wait3A_39 = arith.constant 0 : i32
    %dma_wait3A_40 = tpu.memref_slice %arg3[%mul3A_3, %dma_wait3A_39] : memref<2560x128xi32, #tpu.memory_space<hbm>> -> memref<80x128xi32, #tpu.memory_space<hbm>>
    tpu.wait_dma2 semaphore(%arg13 : memref<!tpu.dma_semaphore, #tpu.memory_space<semaphore_mem>>) src(%dma_wait3A_40 : memref<80x128xi32, #tpu.memory_space<hbm>>) dst(%arg7 : memref<80x128xi32, #tpu.memory_space<vmem>>)
    %dma_wait3A_41 = arith.constant 0 : i32
    %dma_wait3A_42 = tpu.memref_slice %arg4[%mul3A_8, %dma_wait3A_41] : memref<2560x128xi32, #tpu.memory_space<hbm>> -> memref<80x128xi32, #tpu.memory_space<hbm>>
    %dma_wait3A_43 = arith.constant 0 : i32
    %dma_wait3A_44 = tpu.memref_slice %arg4[%mul3A_8, %dma_wait3A_43] : memref<2560x128xi32, #tpu.memory_space<hbm>> -> memref<80x128xi32, #tpu.memory_space<hbm>>
    tpu.wait_dma2 semaphore(%arg13 : memref<!tpu.dma_semaphore, #tpu.memory_space<semaphore_mem>>) src(%dma_wait3A_44 : memref<80x128xi32, #tpu.memory_space<hbm>>) dst(%arg8 : memref<80x128xi32, #tpu.memory_space<vmem>>)
    %barrier3A = arith.constant 0 : index
    tpu.barrier barrier_id(%barrier3A)
    %dma_start3A_45 = arith.constant 0 : i32
    %dma_start3A_46 = arith.constant 0 : i32
    %dma_start3A_47 = arith.constant 0 : i32
    %dma_start3A_48 = arith.constant 0 : i32
    %dma_start3A_49 = tpu.memref_slice %arg9[%dma_start3A_46, %dma_start3A_47, %dma_start3A_48] : memref<12x128x32xf32, #tpu.memory_space<vmem>> -> memref<1x128x32xf32, #tpu.memory_space<vmem>>
    %dma_start3A_50 = tpu.memref_squeeze %dma_start3A_49 : memref<1x128x32xf32, #tpu.memory_space<vmem>> -> memref<128x32xf32, #tpu.memory_space<vmem>>
    %dma_start3A_51 = arith.constant 0 : i32
    %dma_start3A_52 = tpu.memref_slice %arg7[%dma_start3A_45, %dma_start3A_51] : memref<80x128xi32, #tpu.memory_space<vmem>> -> memref<1x128xi32, #tpu.memory_space<vmem>>
    %dma_start3A_53 = tpu.memref_squeeze %dma_start3A_52 : memref<1x128xi32, #tpu.memory_space<vmem>> -> memref<128xi32, #tpu.memory_space<vmem>>
    %dma_start3A_54 = arith.constant 0 : i32
    %dma_start3A_55 = arith.constant 0 : i32
    %dma_start3A_56 = tpu.memref_slice %arg2[%dma_start3A_54, %dma_start3A_55] : memref<10000x32xf32, #tpu.memory_space<hbm>> -> memref<10000x32xf32, #tpu.memory_space<hbm>>
    tpu.enqueue_indirect_dma source(%dma_start3A_56 : memref<10000x32xf32, #tpu.memory_space<hbm>>) target(%dma_start3A_50 : memref<128x32xf32, #tpu.memory_space<vmem>>) offsets(%dma_start3A_53 : memref<128xi32, #tpu.memory_space<vmem>>) semaphore(%arg11 : memref<!tpu.dma_semaphore, #tpu.memory_space<semaphore_mem>>)
    %dma_start3A_57 = arith.constant 1 : i32
    %dma_start3A_58 = arith.constant 1 : i32
    %dma_start3A_59 = arith.constant 0 : i32
    %dma_start3A_60 = arith.constant 0 : i32
    %dma_start3A_61 = tpu.memref_slice %arg9[%dma_start3A_58, %dma_start3A_59, %dma_start3A_60] : memref<12x128x32xf32, #tpu.memory_space<vmem>> -> memref<1x128x32xf32, #tpu.memory_space<vmem>>
    %dma_start3A_62 = tpu.memref_squeeze %dma_start3A_61 : memref<1x128x32xf32, #tpu.memory_space<vmem>> -> memref<128x32xf32, #tpu.memory_space<vmem>>
    %dma_start3A_63 = arith.constant 0 : i32
    %dma_start3A_64 = tpu.memref_slice %arg7[%dma_start3A_57, %dma_start3A_63] : memref<80x128xi32, #tpu.memory_space<vmem>> -> memref<1x128xi32, #tpu.memory_space<vmem>>
    %dma_start3A_65 = tpu.memref_squeeze %dma_start3A_64 : memref<1x128xi32, #tpu.memory_space<vmem>> -> memref<128xi32, #tpu.memory_space<vmem>>
    %dma_start3A_66 = arith.constant 0 : i32
    %dma_start3A_67 = arith.constant 0 : i32
    %dma_start3A_68 = tpu.memref_slice %arg2[%dma_start3A_66, %dma_start3A_67] : memref<10000x32xf32, #tpu.memory_space<hbm>> -> memref<10000x32xf32, #tpu.memory_space<hbm>>
    tpu.enqueue_indirect_dma source(%dma_start3A_68 : memref<10000x32xf32, #tpu.memory_space<hbm>>) target(%dma_start3A_62 : memref<128x32xf32, #tpu.memory_space<vmem>>) offsets(%dma_start3A_65 : memref<128xi32, #tpu.memory_space<vmem>>) semaphore(%arg11 : memref<!tpu.dma_semaphore, #tpu.memory_space<semaphore_mem>>)
    %dma_start3A_69 = arith.constant 2 : i32
    %dma_start3A_70 = arith.constant 2 : i32
    %dma_start3A_71 = arith.constant 0 : i32
    %dma_start3A_72 = arith.constant 0 : i32
    %dma_start3A_73 = tpu.memref_slice %arg9[%dma_start3A_70, %dma_start3A_71, %dma_start3A_72] : memref<12x128x32xf32, #tpu.memory_space<vmem>> -> memref<1x128x32xf32, #tpu.memory_space<vmem>>
    %dma_start3A_74 = tpu.memref_squeeze %dma_start3A_73 : memref<1x128x32xf32, #tpu.memory_space<vmem>> -> memref<128x32xf32, #tpu.memory_space<vmem>>
    %dma_start3A_75 = arith.constant 0 : i32
    %dma_start3A_76 = tpu.memref_slice %arg7[%dma_start3A_69, %dma_start3A_75] : memref<80x128xi32, #tpu.memory_space<vmem>> -> memref<1x128xi32, #tpu.memory_space<vmem>>
    %dma_start3A_77 = tpu.memref_squeeze %dma_start3A_76 : memref<1x128xi32, #tpu.memory_space<vmem>> -> memref<128xi32, #tpu.memory_space<vmem>>
    %dma_start3A_78 = arith.constant 0 : i32
    %dma_start3A_79 = arith.constant 0 : i32
    %dma_start3A_80 = tpu.memref_slice %arg2[%dma_start3A_78, %dma_start3A_79] : memref<10000x32xf32, #tpu.memory_space<hbm>> -> memref<10000x32xf32, #tpu.memory_space<hbm>>
    tpu.enqueue_indirect_dma source(%dma_start3A_80 : memref<10000x32xf32, #tpu.memory_space<hbm>>) target(%dma_start3A_74 : memref<128x32xf32, #tpu.memory_space<vmem>>) offsets(%dma_start3A_77 : memref<128xi32, #tpu.memory_space<vmem>>) semaphore(%arg11 : memref<!tpu.dma_semaphore, #tpu.memory_space<semaphore_mem>>)
    %dma_start3A_81 = arith.constant 3 : i32
    %dma_start3A_82 = arith.constant 3 : i32
    %dma_start3A_83 = arith.constant 0 : i32
    %dma_start3A_84 = arith.constant 0 : i32
    %dma_start3A_85 = tpu.memref_slice %arg9[%dma_start3A_82, %dma_start3A_83, %dma_start3A_84] : memref<12x128x32xf32, #tpu.memory_space<vmem>> -> memref<1x128x32xf32, #tpu.memory_space<vmem>>
    %dma_start3A_86 = tpu.memref_squeeze %dma_start3A_85 : memref<1x128x32xf32, #tpu.memory_space<vmem>> -> memref<128x32xf32, #tpu.memory_space<vmem>>
    %dma_start3A_87 = arith.constant 0 : i32
    %dma_start3A_88 = tpu.memref_slice %arg7[%dma_start3A_81, %dma_start3A_87] : memref<80x128xi32, #tpu.memory_space<vmem>> -> memref<1x128xi32, #tpu.memory_space<vmem>>
    %dma_start3A_89 = tpu.memref_squeeze %dma_start3A_88 : memref<1x128xi32, #tpu.memory_space<vmem>> -> memref<128xi32, #tpu.memory_space<vmem>>
    %dma_start3A_90 = arith.constant 0 : i32
    %dma_start3A_91 = arith.constant 0 : i32
    %dma_start3A_92 = tpu.memref_slice %arg2[%dma_start3A_90, %dma_start3A_91] : memref<10000x32xf32, #tpu.memory_space<hbm>> -> memref<10000x32xf32, #tpu.memory_space<hbm>>
    tpu.enqueue_indirect_dma source(%dma_start3A_92 : memref<10000x32xf32, #tpu.memory_space<hbm>>) target(%dma_start3A_86 : memref<128x32xf32, #tpu.memory_space<vmem>>) offsets(%dma_start3A_89 : memref<128xi32, #tpu.memory_space<vmem>>) semaphore(%arg11 : memref<!tpu.dma_semaphore, #tpu.memory_space<semaphore_mem>>)
    %dma_start3A_93 = arith.constant 4 : i32
    %dma_start3A_94 = arith.constant 4 : i32
    %dma_start3A_95 = arith.constant 0 : i32
    %dma_start3A_96 = arith.constant 0 : i32
    %dma_start3A_97 = tpu.memref_slice %arg9[%dma_start3A_94, %dma_start3A_95, %dma_start3A_96] : memref<12x128x32xf32, #tpu.memory_space<vmem>> -> memref<1x128x32xf32, #tpu.memory_space<vmem>>
    %dma_start3A_98 = tpu.memref_squeeze %dma_start3A_97 : memref<1x128x32xf32, #tpu.memory_space<vmem>> -> memref<128x32xf32, #tpu.memory_space<vmem>>
    %dma_start3A_99 = arith.constant 0 : i32
    %dma_start3A_100 = tpu.memref_slice %arg7[%dma_start3A_93, %dma_start3A_99] : memref<80x128xi32, #tpu.memory_space<vmem>> -> memref<1x128xi32, #tpu.memory_space<vmem>>
    %dma_start3A_101 = tpu.memref_squeeze %dma_start3A_100 : memref<1x128xi32, #tpu.memory_space<vmem>> -> memref<128xi32, #tpu.memory_space<vmem>>
    %dma_start3A_102 = arith.constant 0 : i32
    %dma_start3A_103 = arith.constant 0 : i32
    %dma_start3A_104 = tpu.memref_slice %arg2[%dma_start3A_102, %dma_start3A_103] : memref<10000x32xf32, #tpu.memory_space<hbm>> -> memref<10000x32xf32, #tpu.memory_space<hbm>>
    tpu.enqueue_indirect_dma source(%dma_start3A_104 : memref<10000x32xf32, #tpu.memory_space<hbm>>) target(%dma_start3A_98 : memref<128x32xf32, #tpu.memory_space<vmem>>) offsets(%dma_start3A_101 : memref<128xi32, #tpu.memory_space<vmem>>) semaphore(%arg11 : memref<!tpu.dma_semaphore, #tpu.memory_space<semaphore_mem>>)
    %dma_start3A_105 = arith.constant 5 : i32
    %dma_start3A_106 = arith.constant 5 : i32
    %dma_start3A_107 = arith.constant 0 : i32
    %dma_start3A_108 = arith.constant 0 : i32
    %dma_start3A_109 = tpu.memref_slice %arg9[%dma_start3A_106, %dma_start3A_107, %dma_start3A_108] : memref<12x128x32xf32, #tpu.memory_space<vmem>> -> memref<1x128x32xf32, #tpu.memory_space<vmem>>
    %dma_start3A_110 = tpu.memref_squeeze %dma_start3A_109 : memref<1x128x32xf32, #tpu.memory_space<vmem>> -> memref<128x32xf32, #tpu.memory_space<vmem>>
    %dma_start3A_111 = arith.constant 0 : i32
    %dma_start3A_112 = tpu.memref_slice %arg7[%dma_start3A_105, %dma_start3A_111] : memref<80x128xi32, #tpu.memory_space<vmem>> -> memref<1x128xi32, #tpu.memory_space<vmem>>
    %dma_start3A_113 = tpu.memref_squeeze %dma_start3A_112 : memref<1x128xi32, #tpu.memory_space<vmem>> -> memref<128xi32, #tpu.memory_space<vmem>>
    %dma_start3A_114 = arith.constant 0 : i32
    %dma_start3A_115 = arith.constant 0 : i32
    %dma_start3A_116 = tpu.memref_slice %arg2[%dma_start3A_114, %dma_start3A_115] : memref<10000x32xf32, #tpu.memory_space<hbm>> -> memref<10000x32xf32, #tpu.memory_space<hbm>>
    tpu.enqueue_indirect_dma source(%dma_start3A_116 : memref<10000x32xf32, #tpu.memory_space<hbm>>) target(%dma_start3A_110 : memref<128x32xf32, #tpu.memory_space<vmem>>) offsets(%dma_start3A_113 : memref<128xi32, #tpu.memory_space<vmem>>) semaphore(%arg11 : memref<!tpu.dma_semaphore, #tpu.memory_space<semaphore_mem>>)
    %dma_start3A_117 = arith.constant 6 : i32
    %dma_start3A_118 = arith.constant 6 : i32
    %dma_start3A_119 = arith.constant 0 : i32
    %dma_start3A_120 = arith.constant 0 : i32
    %dma_start3A_121 = tpu.memref_slice %arg9[%dma_start3A_118, %dma_start3A_119, %dma_start3A_120] : memref<12x128x32xf32, #tpu.memory_space<vmem>> -> memref<1x128x32xf32, #tpu.memory_space<vmem>>
    %dma_start3A_122 = tpu.memref_squeeze %dma_start3A_121 : memref<1x128x32xf32, #tpu.memory_space<vmem>> -> memref<128x32xf32, #tpu.memory_space<vmem>>
    %dma_start3A_123 = arith.constant 0 : i32
    %dma_start3A_124 = tpu.memref_slice %arg7[%dma_start3A_117, %dma_start3A_123] : memref<80x128xi32, #tpu.memory_space<vmem>> -> memref<1x128xi32, #tpu.memory_space<vmem>>
    %dma_start3A_125 = tpu.memref_squeeze %dma_start3A_124 : memref<1x128xi32, #tpu.memory_space<vmem>> -> memref<128xi32, #tpu.memory_space<vmem>>
    %dma_start3A_126 = arith.constant 0 : i32
    %dma_start3A_127 = arith.constant 0 : i32
    %dma_start3A_128 = tpu.memref_slice %arg2[%dma_start3A_126, %dma_start3A_127] : memref<10000x32xf32, #tpu.memory_space<hbm>> -> memref<10000x32xf32, #tpu.memory_space<hbm>>
    tpu.enqueue_indirect_dma source(%dma_start3A_128 : memref<10000x32xf32, #tpu.memory_space<hbm>>) target(%dma_start3A_122 : memref<128x32xf32, #tpu.memory_space<vmem>>) offsets(%dma_start3A_125 : memref<128xi32, #tpu.memory_space<vmem>>) semaphore(%arg11 : memref<!tpu.dma_semaphore, #tpu.memory_space<semaphore_mem>>)
    %dma_start3A_129 = arith.constant 7 : i32
    %dma_start3A_130 = arith.constant 7 : i32
    %dma_start3A_131 = arith.constant 0 : i32
    %dma_start3A_132 = arith.constant 0 : i32
    %dma_start3A_133 = tpu.memref_slice %arg9[%dma_start3A_130, %dma_start3A_131, %dma_start3A_132] : memref<12x128x32xf32, #tpu.memory_space<vmem>> -> memref<1x128x32xf32, #tpu.memory_space<vmem>>
    %dma_start3A_134 = tpu.memref_squeeze %dma_start3A_133 : memref<1x128x32xf32, #tpu.memory_space<vmem>> -> memref<128x32xf32, #tpu.memory_space<vmem>>
    %dma_start3A_135 = arith.constant 0 : i32
    %dma_start3A_136 = tpu.memref_slice %arg7[%dma_start3A_129, %dma_start3A_135] : memref<80x128xi32, #tpu.memory_space<vmem>> -> memref<1x128xi32, #tpu.memory_space<vmem>>
    %dma_start3A_137 = tpu.memref_squeeze %dma_start3A_136 : memref<1x128xi32, #tpu.memory_space<vmem>> -> memref<128xi32, #tpu.memory_space<vmem>>
    %dma_start3A_138 = arith.constant 0 : i32
    %dma_start3A_139 = arith.constant 0 : i32
    %dma_start3A_140 = tpu.memref_slice %arg2[%dma_start3A_138, %dma_start3A_139] : memref<10000x32xf32, #tpu.memory_space<hbm>> -> memref<10000x32xf32, #tpu.memory_space<hbm>>
    tpu.enqueue_indirect_dma source(%dma_start3A_140 : memref<10000x32xf32, #tpu.memory_space<hbm>>) target(%dma_start3A_134 : memref<128x32xf32, #tpu.memory_space<vmem>>) offsets(%dma_start3A_137 : memref<128xi32, #tpu.memory_space<vmem>>) semaphore(%arg11 : memref<!tpu.dma_semaphore, #tpu.memory_space<semaphore_mem>>)
    %scan3A_141 = arith.constant 0 : i32
    %scan3A_142 = arith.constant 0 : i32
    %scan3A_143 = arith.constant 80 : i32
    %scan3A_144 = arith.addi %scan3A_142, %scan3A_143 : i32
    %scan3A_145 = arith.constant 1 : i32
    scf.for %scan3A_200 = %scan3A_142 to %scan3A_144 step %scan3A_145  : i32 {
      %rem3A = arith.constant 12 : i32
      %rem3A_201 = arith.remsi %scan3A_200, %rem3A : i32
      %dma_wait3A_202 = arith.constant 0 : i32
      %dma_wait3A_203 = arith.constant 0 : i32
      %dma_wait3A_204 = tpu.memref_slice %arg9[%rem3A_201, %dma_wait3A_202, %dma_wait3A_203] : memref<12x128x32xf32, #tpu.memory_space<vmem>> -> memref<1x128x32xf32, #tpu.memory_space<vmem>>
      %dma_wait3A_205 = tpu.memref_squeeze %dma_wait3A_204 : memref<1x128x32xf32, #tpu.memory_space<vmem>> -> memref<128x32xf32, #tpu.memory_space<vmem>>
      %dma_wait3A_206 = arith.constant 0 : i32
      %dma_wait3A_207 = tpu.memref_slice %arg7[%scan3A_200, %dma_wait3A_206] : memref<80x128xi32, #tpu.memory_space<vmem>> -> memref<1x128xi32, #tpu.memory_space<vmem>>
      %dma_wait3A_208 = tpu.memref_squeeze %dma_wait3A_207 : memref<1x128xi32, #tpu.memory_space<vmem>> -> memref<128xi32, #tpu.memory_space<vmem>>
      %dma_wait3A_209 = arith.constant 0 : i32
      %dma_wait3A_210 = arith.constant 0 : i32
      %dma_wait3A_211 = tpu.memref_slice %arg2[%dma_wait3A_209, %dma_wait3A_210] : memref<10000x32xf32, #tpu.memory_space<hbm>> -> memref<10000x32xf32, #tpu.memory_space<hbm>>
      tpu.wait_indirect_dma semaphore(%arg11 : memref<!tpu.dma_semaphore, #tpu.memory_space<semaphore_mem>>) src(%dma_wait3A_211 : memref<10000x32xf32, #tpu.memory_space<hbm>>) dst(%dma_wait3A_205 : memref<128x32xf32, #tpu.memory_space<vmem>>)
      %dma_start3A_212 = arith.constant 0 : i32
      %dma_start3A_213 = arith.constant 0 : i32
      %dma_start3A_214 = tpu.memref_slice %arg9[%rem3A_201, %dma_start3A_212, %dma_start3A_213] : memref<12x128x32xf32, #tpu.memory_space<vmem>> -> memref<1x128x32xf32, #tpu.memory_space<vmem>>
      %dma_start3A_215 = tpu.memref_squeeze %dma_start3A_214 : memref<1x128x32xf32, #tpu.memory_space<vmem>> -> memref<128x32xf32, #tpu.memory_space<vmem>>
      %dma_start3A_216 = arith.constant 0 : i32
      %dma_start3A_217 = tpu.memref_slice %arg8[%scan3A_200, %dma_start3A_216] : memref<80x128xi32, #tpu.memory_space<vmem>> -> memref<1x128xi32, #tpu.memory_space<vmem>>
      %dma_start3A_218 = tpu.memref_squeeze %dma_start3A_217 : memref<1x128xi32, #tpu.memory_space<vmem>> -> memref<128xi32, #tpu.memory_space<vmem>>
      %dma_start3A_219 = arith.constant 0 : i32
      %dma_start3A_220 = arith.constant 0 : i32
      %dma_start3A_221 = tpu.memref_slice %arg6[%dma_start3A_219, %dma_start3A_220] : memref<10240x32xf32, #tpu.memory_space<vmem_shared>> -> memref<10240x32xf32, #tpu.memory_space<vmem_shared>>
      tpu.enqueue_indirect_dma source(%dma_start3A_215 : memref<128x32xf32, #tpu.memory_space<vmem>>) target(%dma_start3A_221 : memref<10240x32xf32, #tpu.memory_space<vmem_shared>>) offsets(%dma_start3A_218 : memref<128xi32, #tpu.memory_space<vmem>>) semaphore(%arg12 : memref<!tpu.dma_semaphore, #tpu.memory_space<semaphore_mem>>) {add = true}
      %ge3A = arith.constant 4 : i32
      %ge3A_222 = arith.cmpi sge, %scan3A_200, %ge3A : i32
      %convert_element_type3A = arith.extui %ge3A_222 : i1 to i32
      %cond3A = arith.constant 0 : i32
      %cond3A_223 = arith.cmpi ne, %convert_element_type3A, %cond3A : i32
      scf.if %cond3A_223 {
        %sub3A = arith.constant 4 : i32
        %sub3A_230 = arith.subi %scan3A_200, %sub3A : i32
        %rem3A_231 = arith.constant 12 : i32
        %rem3A_232 = arith.remsi %sub3A_230, %rem3A_231 : i32
        %dma_wait3A_233 = arith.constant 0 : i32
        %dma_wait3A_234 = arith.constant 0 : i32
        %dma_wait3A_235 = tpu.memref_slice %arg9[%rem3A_232, %dma_wait3A_233, %dma_wait3A_234] : memref<12x128x32xf32, #tpu.memory_space<vmem>> -> memref<1x128x32xf32, #tpu.memory_space<vmem>>
        %dma_wait3A_236 = tpu.memref_squeeze %dma_wait3A_235 : memref<1x128x32xf32, #tpu.memory_space<vmem>> -> memref<128x32xf32, #tpu.memory_space<vmem>>
        %dma_wait3A_237 = arith.constant 0 : i32
        %dma_wait3A_238 = tpu.memref_slice %arg8[%sub3A_230, %dma_wait3A_237] : memref<80x128xi32, #tpu.memory_space<vmem>> -> memref<1x128xi32, #tpu.memory_space<vmem>>
        %dma_wait3A_239 = tpu.memref_squeeze %dma_wait3A_238 : memref<1x128xi32, #tpu.memory_space<vmem>> -> memref<128xi32, #tpu.memory_space<vmem>>
        %dma_wait3A_240 = arith.constant 0 : i32
        %dma_wait3A_241 = arith.constant 0 : i32
        %dma_wait3A_242 = tpu.memref_slice %arg6[%dma_wait3A_240, %dma_wait3A_241] : memref<10240x32xf32, #tpu.memory_space<vmem_shared>> -> memref<10240x32xf32, #tpu.memory_space<vmem_shared>>
        tpu.wait_indirect_dma semaphore(%arg12 : memref<!tpu.dma_semaphore, #tpu.memory_space<semaphore_mem>>) src(%dma_wait3A_236 : memref<128x32xf32, #tpu.memory_space<vmem>>) dst(%dma_wait3A_242 : memref<10240x32xf32, #tpu.memory_space<vmem_shared>>)
      } else {
      }
      %add3A_224 = arith.constant 8 : i32
      %add3A_225 = arith.addi %scan3A_200, %add3A_224 : i32
      %lt3A = arith.constant 80 : i32
      %lt3A_226 = arith.cmpi slt, %add3A_225, %lt3A : i32
      %convert_element_type3A_227 = arith.extui %lt3A_226 : i1 to i32
      %cond3A_228 = arith.constant 0 : i32
      %cond3A_229 = arith.cmpi ne, %convert_element_type3A_227, %cond3A_228 : i32
      scf.if %cond3A_229 {
        %add3A_230 = arith.constant 8 : i32
        %add3A_231 = arith.addi %scan3A_200, %add3A_230 : i32
        %rem3A_232 = arith.constant 12 : i32
        %rem3A_233 = arith.remsi %add3A_231, %rem3A_232 : i32
        %dma_start3A_234 = arith.constant 0 : i32
        %dma_start3A_235 = arith.constant 0 : i32
        %dma_start3A_236 = tpu.memref_slice %arg9[%rem3A_233, %dma_start3A_234, %dma_start3A_235] : memref<12x128x32xf32, #tpu.memory_space<vmem>> -> memref<1x128x32xf32, #tpu.memory_space<vmem>>
        %dma_start3A_237 = tpu.memref_squeeze %dma_start3A_236 : memref<1x128x32xf32, #tpu.memory_space<vmem>> -> memref<128x32xf32, #tpu.memory_space<vmem>>
        %dma_start3A_238 = arith.constant 0 : i32
        %dma_start3A_239 = tpu.memref_slice %arg7[%add3A_231, %dma_start3A_238] : memref<80x128xi32, #tpu.memory_space<vmem>> -> memref<1x128xi32, #tpu.memory_space<vmem>>
        %dma_start3A_240 = tpu.memref_squeeze %dma_start3A_239 : memref<1x128xi32, #tpu.memory_space<vmem>> -> memref<128xi32, #tpu.memory_space<vmem>>
        %dma_start3A_241 = arith.constant 0 : i32
        %dma_start3A_242 = arith.constant 0 : i32
        %dma_start3A_243 = tpu.memref_slice %arg2[%dma_start3A_241, %dma_start3A_242] : memref<10000x32xf32, #tpu.memory_space<hbm>> -> memref<10000x32xf32, #tpu.memory_space<hbm>>
        tpu.enqueue_indirect_dma source(%dma_start3A_243 : memref<10000x32xf32, #tpu.memory_space<hbm>>) target(%dma_start3A_237 : memref<128x32xf32, #tpu.memory_space<vmem>>) offsets(%dma_start3A_240 : memref<128xi32, #tpu.memory_space<vmem>>) semaphore(%arg11 : memref<!tpu.dma_semaphore, #tpu.memory_space<semaphore_mem>>)
      } else {
      }
    }
    %scan3A_146 = arith.constant 80 : i32
    %dma_wait3A_147 = arith.constant 4 : i32
    %dma_wait3A_148 = arith.constant 76 : i32
    %dma_wait3A_149 = arith.constant 0 : i32
    %dma_wait3A_150 = arith.constant 0 : i32
    %dma_wait3A_151 = tpu.memref_slice %arg9[%dma_wait3A_147, %dma_wait3A_149, %dma_wait3A_150] : memref<12x128x32xf32, #tpu.memory_space<vmem>> -> memref<1x128x32xf32, #tpu.memory_space<vmem>>
    %dma_wait3A_152 = tpu.memref_squeeze %dma_wait3A_151 : memref<1x128x32xf32, #tpu.memory_space<vmem>> -> memref<128x32xf32, #tpu.memory_space<vmem>>
    %dma_wait3A_153 = arith.constant 0 : i32
    %dma_wait3A_154 = tpu.memref_slice %arg8[%dma_wait3A_148, %dma_wait3A_153] : memref<80x128xi32, #tpu.memory_space<vmem>> -> memref<1x128xi32, #tpu.memory_space<vmem>>
    %dma_wait3A_155 = tpu.memref_squeeze %dma_wait3A_154 : memref<1x128xi32, #tpu.memory_space<vmem>> -> memref<128xi32, #tpu.memory_space<vmem>>
    %dma_wait3A_156 = arith.constant 0 : i32
    %dma_wait3A_157 = arith.constant 0 : i32
    %dma_wait3A_158 = tpu.memref_slice %arg6[%dma_wait3A_156, %dma_wait3A_157] : memref<10240x32xf32, #tpu.memory_space<vmem_shared>> -> memref<10240x32xf32, #tpu.memory_space<vmem_shared>>
    tpu.wait_indirect_dma semaphore(%arg12 : memref<!tpu.dma_semaphore, #tpu.memory_space<semaphore_mem>>) src(%dma_wait3A_152 : memref<128x32xf32, #tpu.memory_space<vmem>>) dst(%dma_wait3A_158 : memref<10240x32xf32, #tpu.memory_space<vmem_shared>>)
    %dma_wait3A_159 = arith.constant 5 : i32
    %dma_wait3A_160 = arith.constant 77 : i32
    %dma_wait3A_161 = arith.constant 0 : i32
    %dma_wait3A_162 = arith.constant 0 : i32
    %dma_wait3A_163 = tpu.memref_slice %arg9[%dma_wait3A_159, %dma_wait3A_161, %dma_wait3A_162] : memref<12x128x32xf32, #tpu.memory_space<vmem>> -> memref<1x128x32xf32, #tpu.memory_space<vmem>>
    %dma_wait3A_164 = tpu.memref_squeeze %dma_wait3A_163 : memref<1x128x32xf32, #tpu.memory_space<vmem>> -> memref<128x32xf32, #tpu.memory_space<vmem>>
    %dma_wait3A_165 = arith.constant 0 : i32
    %dma_wait3A_166 = tpu.memref_slice %arg8[%dma_wait3A_160, %dma_wait3A_165] : memref<80x128xi32, #tpu.memory_space<vmem>> -> memref<1x128xi32, #tpu.memory_space<vmem>>
    %dma_wait3A_167 = tpu.memref_squeeze %dma_wait3A_166 : memref<1x128xi32, #tpu.memory_space<vmem>> -> memref<128xi32, #tpu.memory_space<vmem>>
    %dma_wait3A_168 = arith.constant 0 : i32
    %dma_wait3A_169 = arith.constant 0 : i32
    %dma_wait3A_170 = tpu.memref_slice %arg6[%dma_wait3A_168, %dma_wait3A_169] : memref<10240x32xf32, #tpu.memory_space<vmem_shared>> -> memref<10240x32xf32, #tpu.memory_space<vmem_shared>>
    tpu.wait_indirect_dma semaphore(%arg12 : memref<!tpu.dma_semaphore, #tpu.memory_space<semaphore_mem>>) src(%dma_wait3A_164 : memref<128x32xf32, #tpu.memory_space<vmem>>) dst(%dma_wait3A_170 : memref<10240x32xf32, #tpu.memory_space<vmem_shared>>)
    %dma_wait3A_171 = arith.constant 6 : i32
    %dma_wait3A_172 = arith.constant 78 : i32
    %dma_wait3A_173 = arith.constant 0 : i32
    %dma_wait3A_174 = arith.constant 0 : i32
    %dma_wait3A_175 = tpu.memref_slice %arg9[%dma_wait3A_171, %dma_wait3A_173, %dma_wait3A_174] : memref<12x128x32xf32, #tpu.memory_space<vmem>> -> memref<1x128x32xf32, #tpu.memory_space<vmem>>
    %dma_wait3A_176 = tpu.memref_squeeze %dma_wait3A_175 : memref<1x128x32xf32, #tpu.memory_space<vmem>> -> memref<128x32xf32, #tpu.memory_space<vmem>>
    %dma_wait3A_177 = arith.constant 0 : i32
    %dma_wait3A_178 = tpu.memref_slice %arg8[%dma_wait3A_172, %dma_wait3A_177] : memref<80x128xi32, #tpu.memory_space<vmem>> -> memref<1x128xi32, #tpu.memory_space<vmem>>
    %dma_wait3A_179 = tpu.memref_squeeze %dma_wait3A_178 : memref<1x128xi32, #tpu.memory_space<vmem>> -> memref<128xi32, #tpu.memory_space<vmem>>
    %dma_wait3A_180 = arith.constant 0 : i32
    %dma_wait3A_181 = arith.constant 0 : i32
    %dma_wait3A_182 = tpu.memref_slice %arg6[%dma_wait3A_180, %dma_wait3A_181] : memref<10240x32xf32, #tpu.memory_space<vmem_shared>> -> memref<10240x32xf32, #tpu.memory_space<vmem_shared>>
    tpu.wait_indirect_dma semaphore(%arg12 : memref<!tpu.dma_semaphore, #tpu.memory_space<semaphore_mem>>) src(%dma_wait3A_176 : memref<128x32xf32, #tpu.memory_space<vmem>>) dst(%dma_wait3A_182 : memref<10240x32xf32, #tpu.memory_space<vmem_shared>>)
    %dma_wait3A_183 = arith.constant 7 : i32
    %dma_wait3A_184 = arith.constant 79 : i32
    %dma_wait3A_185 = arith.constant 0 : i32
    %dma_wait3A_186 = arith.constant 0 : i32
    %dma_wait3A_187 = tpu.memref_slice %arg9[%dma_wait3A_183, %dma_wait3A_185, %dma_wait3A_186] : memref<12x128x32xf32, #tpu.memory_space<vmem>> -> memref<1x128x32xf32, #tpu.memory_space<vmem>>
    %dma_wait3A_188 = tpu.memref_squeeze %dma_wait3A_187 : memref<1x128x32xf32, #tpu.memory_space<vmem>> -> memref<128x32xf32, #tpu.memory_space<vmem>>
    %dma_wait3A_189 = arith.constant 0 : i32
    %dma_wait3A_190 = tpu.memref_slice %arg8[%dma_wait3A_184, %dma_wait3A_189] : memref<80x128xi32, #tpu.memory_space<vmem>> -> memref<1x128xi32, #tpu.memory_space<vmem>>
    %dma_wait3A_191 = tpu.memref_squeeze %dma_wait3A_190 : memref<1x128xi32, #tpu.memory_space<vmem>> -> memref<128xi32, #tpu.memory_space<vmem>>
    %dma_wait3A_192 = arith.constant 0 : i32
    %dma_wait3A_193 = arith.constant 0 : i32
    %dma_wait3A_194 = tpu.memref_slice %arg6[%dma_wait3A_192, %dma_wait3A_193] : memref<10240x32xf32, #tpu.memory_space<vmem_shared>> -> memref<10240x32xf32, #tpu.memory_space<vmem_shared>>
    tpu.wait_indirect_dma semaphore(%arg12 : memref<!tpu.dma_semaphore, #tpu.memory_space<semaphore_mem>>) src(%dma_wait3A_188 : memref<128x32xf32, #tpu.memory_space<vmem>>) dst(%dma_wait3A_194 : memref<10240x32xf32, #tpu.memory_space<vmem_shared>>)
    %barrier3A_195 = arith.constant 0 : index
    tpu.barrier barrier_id(%barrier3A_195)
    %mul3A_196 = arith.constant 640 : i32
    %mul3A_197 = arith.muli %arg1, %mul3A_196 : i32
    %mul3A_198 = arith.constant 640 : i32
    %mul3A_199 = arith.muli %arg1, %mul3A_198 : i32
    "tpu.region"() ({
      %run_scoped3A = tpu.sem_alloc : memref<!tpu.dma_semaphore, #tpu.memory_space<semaphore_mem>>
      %dma_start3A_200 = arith.constant 0 : i32
      %dma_start3A_201 = tpu.memref_slice %arg5[%arg0, %mul3A_199, %dma_start3A_200] : memref<2x10240x32xf32, #tpu.memory_space<hbm>> -> memref<1x640x32xf32, #tpu.memory_space<hbm>>
      %dma_start3A_202 = tpu.memref_squeeze %dma_start3A_201 : memref<1x640x32xf32, #tpu.memory_space<hbm>> -> memref<640x32xf32, #tpu.memory_space<hbm>>
      %dma_start3A_203 = arith.constant 0 : i32
      %dma_start3A_204 = tpu.memref_slice %arg6[%mul3A_197, %dma_start3A_203] : memref<10240x32xf32, #tpu.memory_space<vmem_shared>> -> memref<640x32xf32, #tpu.memory_space<vmem_shared>>
      tpu.enqueue_dma source(%dma_start3A_204 : memref<640x32xf32, #tpu.memory_space<vmem_shared>>) target(%dma_start3A_202 : memref<640x32xf32, #tpu.memory_space<hbm>>) target_semaphore(%run_scoped3A : memref<!tpu.dma_semaphore, #tpu.memory_space<semaphore_mem>>)
      %dma_wait3A_205 = arith.constant 0 : i32
      %dma_wait3A_206 = tpu.memref_slice %arg5[%arg0, %mul3A_199, %dma_wait3A_205] : memref<2x10240x32xf32, #tpu.memory_space<hbm>> -> memref<1x640x32xf32, #tpu.memory_space<hbm>>
      %dma_wait3A_207 = tpu.memref_squeeze %dma_wait3A_206 : memref<1x640x32xf32, #tpu.memory_space<hbm>> -> memref<640x32xf32, #tpu.memory_space<hbm>>
      %dma_wait3A_208 = arith.constant 0 : i32
      %dma_wait3A_209 = tpu.memref_slice %arg6[%mul3A_197, %dma_wait3A_208] : memref<10240x32xf32, #tpu.memory_space<vmem_shared>> -> memref<640x32xf32, #tpu.memory_space<vmem_shared>>
      tpu.wait_dma2 semaphore(%run_scoped3A : memref<!tpu.dma_semaphore, #tpu.memory_space<semaphore_mem>>) src(%dma_wait3A_209 : memref<640x32xf32, #tpu.memory_space<vmem_shared>>) dst(%dma_wait3A_207 : memref<640x32xf32, #tpu.memory_space<hbm>>)
      tpu.yield
    }) : () -> ()
    return
  }
}

module attributes {stable_mosaic.version = 14 : i64} {
  func.func @_tc_mm1_body(%arg0: memref<32x10240xf32, #tpu.memory_space<vmem>>, %arg1: memref<10000x128xf32, #tpu.memory_space<vmem>>, %arg2: memref<128x32xf32, #tpu.memory_space<vmem>>, %arg3: memref<10000x32xf32, #tpu.memory_space<vmem>>, %arg4: memref<10000x32xf32, #tpu.memory_space<vmem>>, %arg5: memref<10240x1xf32, #tpu.memory_space<vmem>>) attributes {dimension_semantics = [], scalar_prefetch = 0 : i64, scratch_operands = 0 : i64, tpu.core_type = #tpu.core_type<tc>} {
    %broadcast_in_dim3A = arith.constant 1.000000e+00 : f32
    %broadcast_in_dim3A_0 = vector.broadcast %broadcast_in_dim3A : f32 to vector<32x1xf32>
    %get3A = arith.constant 0 : index
    %get3A_1 = arith.constant 0 : index
    %get3A_2 = vector.load %arg0[%get3A, %get3A_1] : memref<32x10240xf32, #tpu.memory_space<vmem>>, vector<32x10240xf32>
    %dot_general3A = arith.constant dense<0.000000e+00> : vector<10240x1xf32>
    %dot_general3A_3 = tpu.matmul %get3A_2, %broadcast_in_dim3A_0, %dot_general3A {dimension_numbers = #tpu.dot_dimension_numbers<[0], [0], [1], [1], [0, 1, 1, 1], [], []>, transpose_lhs_hint = false} : vector<32x10240xf32>, vector<32x1xf32>, vector<10240x1xf32> -> vector<10240x1xf32>
    %add3A = arith.constant 1.000000e+00 : f32
    %add3A_4 = vector.broadcast %add3A : f32 to vector<10240x1xf32>
    %add3A_5 = arith.addf %dot_general3A_3, %add3A_4 : vector<10240x1xf32>
    %rsqrt3A = math.rsqrt %add3A_5 : vector<10240x1xf32>
    %swap3A = arith.constant 0 : index
    %swap3A_6 = arith.constant 0 : index
    %swap3A_7 = vector.load %arg5[%swap3A, %swap3A_6] : memref<10240x1xf32, #tpu.memory_space<vmem>>, vector<10240x1xf32>
    tpu.vector_store %arg5[%swap3A, %swap3A_6], %rsqrt3A {strides = array<i32>} : memref<10240x1xf32, #tpu.memory_space<vmem>>, vector<10240x1xf32>,
    %get3A_8 = arith.constant 0 : index
    %get3A_9 = arith.constant 0 : index
    %get3A_10 = vector.load %arg1[%get3A_8, %get3A_9] : memref<10000x128xf32, #tpu.memory_space<vmem>>, vector<10000x128xf32>
    %get3A_11 = arith.constant 0 : index
    %get3A_12 = arith.constant 0 : index
    %get3A_13 = vector.load %arg2[%get3A_11, %get3A_12] : memref<128x32xf32, #tpu.memory_space<vmem>>, vector<128x32xf32>
    %dot_general3A_14 = arith.constant dense<0.000000e+00> : vector<10000x32xf32>
    %dot_general3A_15 = tpu.matmul %get3A_10, %get3A_13, %dot_general3A_14 {dimension_numbers = #tpu.dot_dimension_numbers<[1], [0], [0], [1], [0, 0, 1, 1], [], []>, transpose_lhs_hint = false} : vector<10000x128xf32>, vector<128x32xf32>, vector<10000x32xf32> -> vector<10000x32xf32>
    %swap3A_16 = arith.constant 0 : index
    %swap3A_17 = arith.constant 0 : index
    %swap3A_18 = vector.load %arg3[%swap3A_16, %swap3A_17] : memref<10000x32xf32, #tpu.memory_space<vmem>>, vector<10000x32xf32>
    tpu.vector_store %arg3[%swap3A_16, %swap3A_17], %dot_general3A_15 {strides = array<i32>} : memref<10000x32xf32, #tpu.memory_space<vmem>>, vector<10000x32xf32>,
    %slice3A = vector.extract_strided_slice %rsqrt3A {offsets = [0, 0], sizes = [10000, 1], strides = [1, 1]} : vector<10240x1xf32> to vector<10000x1xf32>
    %mul3A = vector.broadcast %slice3A : vector<10000x1xf32> to vector<10000x32xf32>
    %mul3A_19 = arith.mulf %dot_general3A_15, %mul3A : vector<10000x32xf32>
    %swap3A_20 = arith.constant 0 : index
    %swap3A_21 = arith.constant 0 : index
    %swap3A_22 = vector.load %arg4[%swap3A_20, %swap3A_21] : memref<10000x32xf32, #tpu.memory_space<vmem>>, vector<10000x32xf32>
    tpu.vector_store %arg4[%swap3A_20, %swap3A_21], %mul3A_19 {strides = array<i32>} : memref<10000x32xf32, #tpu.memory_space<vmem>>, vector<10000x32xf32>,
    return
  }
}

module attributes {stable_mosaic.version = 14 : i64} {
  func.func @_tc_mid_body(%arg0: memref<10240x1xf32, #tpu.memory_space<vmem>>, %arg1: memref<2x10240x32xf32, #tpu.memory_space<vmem>>, %arg2: memref<10000x32xf32, #tpu.memory_space<vmem>>, %arg3: memref<32xf32, #tpu.memory_space<vmem>>, %arg4: memref<32x32xf32, #tpu.memory_space<vmem>>, %arg5: memref<10000x32xf32, #tpu.memory_space<vmem>>, %arg6: memref<10000x32xf32, #tpu.memory_space<vmem>>, %arg7: memref<10000x32xf32, #tpu.memory_space<vmem>>) attributes {dimension_semantics = [], scalar_prefetch = 0 : i64, scratch_operands = 0 : i64, tpu.core_type = #tpu.core_type<tc>} {
    %get3A = arith.constant 0 : index
    %get3A_0 = arith.constant 0 : index
    %get3A_1 = vector.load %arg0[%get3A, %get3A_0] : memref<10240x1xf32, #tpu.memory_space<vmem>>, vector<10000x1xf32>
    %get3A_2 = arith.constant 0 : index
    %get3A_3 = arith.constant 0 : index
    %get3A_4 = arith.constant 0 : index
    %get3A_5 = vector.load %arg1[%get3A_2, %get3A_3, %get3A_4] : memref<2x10240x32xf32, #tpu.memory_space<vmem>>, vector<1x10000x32xf32>
    %get3A_6 = vector.shape_cast %get3A_5 : vector<1x10000x32xf32> to vector<10000x32xf32>
    %get3A_7 = arith.constant 1 : index
    %get3A_8 = arith.constant 0 : index
    %get3A_9 = arith.constant 0 : index
    %get3A_10 = vector.load %arg1[%get3A_7, %get3A_8, %get3A_9] : memref<2x10240x32xf32, #tpu.memory_space<vmem>>, vector<1x10000x32xf32>
    %get3A_11 = vector.shape_cast %get3A_10 : vector<1x10000x32xf32> to vector<10000x32xf32>
    %add3A = arith.addf %get3A_6, %get3A_11 : vector<10000x32xf32>
    %mul3A = vector.broadcast %get3A_1 : vector<10000x1xf32> to vector<10000x32xf32>
    %mul3A_12 = arith.mulf %mul3A, %add3A : vector<10000x32xf32>
    %mul3A_13 = arith.mulf %get3A_1, %get3A_1 : vector<10000x1xf32>
    %get3A_14 = arith.constant 0 : index
    %get3A_15 = arith.constant 0 : index
    %get3A_16 = vector.load %arg2[%get3A_14, %get3A_15] : memref<10000x32xf32, #tpu.memory_space<vmem>>, vector<10000x32xf32>
    %mul3A_17 = vector.broadcast %mul3A_13 : vector<10000x1xf32> to vector<10000x32xf32>
    %mul3A_18 = arith.mulf %mul3A_17, %get3A_16 : vector<10000x32xf32>
    %add3A_19 = arith.addf %mul3A_12, %mul3A_18 : vector<10000x32xf32>
    %get3A_20 = arith.constant 0 : index
    %get3A_21 = vector.load %arg3[%get3A_20] : memref<32xf32, #tpu.memory_space<vmem>>, vector<32xf32>
    %broadcast_in_dim3A = vector.shape_cast %get3A_21 : vector<32xf32> to vector<1x32xf32>
    %add3A_22 = vector.broadcast %broadcast_in_dim3A : vector<1x32xf32> to vector<10000x32xf32>
    %add3A_23 = arith.addf %add3A_19, %add3A_22 : vector<10000x32xf32>
    %max3A = arith.constant 0.000000e+00 : f32
    %max3A_24 = vector.broadcast %max3A : f32 to vector<10000x32xf32>
    %max3A_25 = arith.maximumf %add3A_23, %max3A_24 : vector<10000x32xf32>
    %swap3A = arith.constant 0 : index
    %swap3A_26 = arith.constant 0 : index
    %swap3A_27 = vector.load %arg5[%swap3A, %swap3A_26] : memref<10000x32xf32, #tpu.memory_space<vmem>>, vector<10000x32xf32>
    tpu.vector_store %arg5[%swap3A, %swap3A_26], %max3A_25 {strides = array<i32>} : memref<10000x32xf32, #tpu.memory_space<vmem>>, vector<10000x32xf32>,
    %get3A_28 = arith.constant 0 : index
    %get3A_29 = arith.constant 0 : index
    %get3A_30 = vector.load %arg4[%get3A_28, %get3A_29] : memref<32x32xf32, #tpu.memory_space<vmem>>, vector<32x32xf32>
    %dot_general3A = arith.constant dense<0.000000e+00> : vector<10000x32xf32>
    %dot_general3A_31 = tpu.matmul %max3A_25, %get3A_30, %dot_general3A {dimension_numbers = #tpu.dot_dimension_numbers<[1], [0], [0], [1], [0, 0, 1, 1], [], []>, transpose_lhs_hint = false} : vector<10000x32xf32>, vector<32x32xf32>, vector<10000x32xf32> -> vector<10000x32xf32>
    %swap3A_32 = arith.constant 0 : index
    %swap3A_33 = arith.constant 0 : index
    %swap3A_34 = vector.load %arg6[%swap3A_32, %swap3A_33] : memref<10000x32xf32, #tpu.memory_space<vmem>>, vector<10000x32xf32>
    tpu.vector_store %arg6[%swap3A_32, %swap3A_33], %dot_general3A_31 {strides = array<i32>} : memref<10000x32xf32, #tpu.memory_space<vmem>>, vector<10000x32xf32>,
    %mul3A_35 = vector.broadcast %get3A_1 : vector<10000x1xf32> to vector<10000x32xf32>
    %mul3A_36 = arith.mulf %dot_general3A_31, %mul3A_35 : vector<10000x32xf32>
    %swap3A_37 = arith.constant 0 : index
    %swap3A_38 = arith.constant 0 : index
    %swap3A_39 = vector.load %arg7[%swap3A_37, %swap3A_38] : memref<10000x32xf32, #tpu.memory_space<vmem>>, vector<10000x32xf32>
    tpu.vector_store %arg7[%swap3A_37, %swap3A_38], %mul3A_36 {strides = array<i32>} : memref<10000x32xf32, #tpu.memory_space<vmem>>, vector<10000x32xf32>,
    return
  }
}

module attributes {stable_mosaic.version = 14 : i64} {
  func.func @_tc_out_body(%arg0: memref<10240x1xf32, #tpu.memory_space<vmem>>, %arg1: memref<2x10240x32xf32, #tpu.memory_space<vmem>>, %arg2: memref<10000x32xf32, #tpu.memory_space<vmem>>, %arg3: memref<10000x32xf32, #tpu.memory_space<vmem>>, %arg4: memref<32xf32, #tpu.memory_space<vmem>>, %arg5: memref<32x1xf32, #tpu.memory_space<vmem>>, %arg6: memref<1xf32, #tpu.memory_space<vmem>>, %arg7: memref<10000x1xf32, #tpu.memory_space<vmem>>) attributes {dimension_semantics = [], scalar_prefetch = 0 : i64, scratch_operands = 0 : i64, tpu.core_type = #tpu.core_type<tc>} {
    %get3A = arith.constant 0 : index
    %get3A_0 = arith.constant 0 : index
    %get3A_1 = vector.load %arg0[%get3A, %get3A_0] : memref<10240x1xf32, #tpu.memory_space<vmem>>, vector<10000x1xf32>
    %get3A_2 = arith.constant 0 : index
    %get3A_3 = arith.constant 0 : index
    %get3A_4 = arith.constant 0 : index
    %get3A_5 = vector.load %arg1[%get3A_2, %get3A_3, %get3A_4] : memref<2x10240x32xf32, #tpu.memory_space<vmem>>, vector<1x10000x32xf32>
    %get3A_6 = vector.shape_cast %get3A_5 : vector<1x10000x32xf32> to vector<10000x32xf32>
    %get3A_7 = arith.constant 1 : index
    %get3A_8 = arith.constant 0 : index
    %get3A_9 = arith.constant 0 : index
    %get3A_10 = vector.load %arg1[%get3A_7, %get3A_8, %get3A_9] : memref<2x10240x32xf32, #tpu.memory_space<vmem>>, vector<1x10000x32xf32>
    %get3A_11 = vector.shape_cast %get3A_10 : vector<1x10000x32xf32> to vector<10000x32xf32>
    %add3A = arith.addf %get3A_6, %get3A_11 : vector<10000x32xf32>
    %mul3A = vector.broadcast %get3A_1 : vector<10000x1xf32> to vector<10000x32xf32>
    %mul3A_12 = arith.mulf %mul3A, %add3A : vector<10000x32xf32>
    %mul3A_13 = arith.mulf %get3A_1, %get3A_1 : vector<10000x1xf32>
    %get3A_14 = arith.constant 0 : index
    %get3A_15 = arith.constant 0 : index
    %get3A_16 = vector.load %arg3[%get3A_14, %get3A_15] : memref<10000x32xf32, #tpu.memory_space<vmem>>, vector<10000x32xf32>
    %mul3A_17 = vector.broadcast %mul3A_13 : vector<10000x1xf32> to vector<10000x32xf32>
    %mul3A_18 = arith.mulf %mul3A_17, %get3A_16 : vector<10000x32xf32>
    %add3A_19 = arith.addf %mul3A_12, %mul3A_18 : vector<10000x32xf32>
    %get3A_20 = arith.constant 0 : index
    %get3A_21 = vector.load %arg4[%get3A_20] : memref<32xf32, #tpu.memory_space<vmem>>, vector<32xf32>
    %broadcast_in_dim3A = vector.shape_cast %get3A_21 : vector<32xf32> to vector<1x32xf32>
    %add3A_22 = vector.broadcast %broadcast_in_dim3A : vector<1x32xf32> to vector<10000x32xf32>
    %add3A_23 = arith.addf %add3A_19, %add3A_22 : vector<10000x32xf32>
    %get3A_24 = arith.constant 0 : index
    %get3A_25 = arith.constant 0 : index
    %get3A_26 = vector.load %arg2[%get3A_24, %get3A_25] : memref<10000x32xf32, #tpu.memory_space<vmem>>, vector<10000x32xf32>
    %add3A_27 = arith.addf %get3A_26, %add3A_23 : vector<10000x32xf32>
    %get3A_28 = arith.constant 0 : index
    %get3A_29 = arith.constant 0 : index
    %get3A_30 = vector.load %arg5[%get3A_28, %get3A_29] : memref<32x1xf32, #tpu.memory_space<vmem>>, vector<32x1xf32>
    %dot_general3A = arith.constant dense<0.000000e+00> : vector<10000x1xf32>
    %dot_general3A_31 = tpu.matmul %add3A_27, %get3A_30, %dot_general3A {dimension_numbers = #tpu.dot_dimension_numbers<[1], [0], [0], [1], [0, 0, 1, 1], [], []>, transpose_lhs_hint = false} : vector<10000x32xf32>, vector<32x1xf32>, vector<10000x1xf32> -> vector<10000x1xf32>
    %get3A_32 = arith.constant 0 : index
    %get3A_33 = vector.load %arg6[%get3A_32] : memref<1xf32, #tpu.memory_space<vmem>>, vector<1xf32>
    %broadcast_in_dim3A_34 = vector.shape_cast %get3A_33 : vector<1xf32> to vector<1x1xf32>
    %add3A_35 = vector.broadcast %broadcast_in_dim3A_34 : vector<1x1xf32> to vector<10000x1xf32>
    %add3A_36 = arith.addf %dot_general3A_31, %add3A_35 : vector<10000x1xf32>
    %tanh3A = math.tanh %add3A_36 : vector<10000x1xf32>
    %mul3A_37 = arith.constant 5.000000e+00 : f32
    %mul3A_38 = vector.broadcast %mul3A_37 : f32 to vector<10000x1xf32>
    %mul3A_39 = arith.mulf %tanh3A, %mul3A_38 : vector<10000x1xf32>
    %swap3A = arith.constant 0 : index
    %swap3A_40 = arith.constant 0 : index
    %swap3A_41 = vector.load %arg7[%swap3A, %swap3A_40] : memref<10000x1xf32, #tpu.memory_space<vmem>>, vector<10000x1xf32>
    tpu.vector_store %arg7[%swap3A, %swap3A_40], %mul3A_39 {strides = array<i32>} : memref<10000x1xf32, #tpu.memory_space<vmem>>, vector<10000x1xf32>,
    return
  }
}

</mosaic_0001>

<sc_bundles>
// kernel: kernel.11.cloned.1.call-start
scs
__scs_entry_jumppad:
0x0: {  	(pc) =	sbr.rel $0x88, $3  }
0x1: {  	(tag) =	ssettag $0x0;
	lr =	simm.s32 $0x1  }
0x2: {  	[smem:$0x3F99] =	sst lr;
	_ =	strace $0xD0000000  }
0x3: {  	_ = 	snop  }
0x4: {  	_ = 	snop  }
0x5: {  	_ = 	snop  }
0x6: {  	_ = 	snop  }
0x7: {  	_ = 	snop  }
__scs_overlays_trampoline_lowered:
0x8: {  	[smem:$0x3FA8] =	sst s0  }
0x9: {  	[smem:$0x3FA9] =	sst s1  }
0xa: {  	[smem:$0x3FAA] =	sst s2  }
0xb: {  	[smem:$0x3FAB] =	sst s3  }
0xc: {  	[smem:$0x3FAC] =	sst s4  }
0xd: {  	[smem:$0x3FAD] =	sst s5  }
0xe: {  	[smem:$0x3FAE] =	sst s6  }
0xf: {  	[smem:$0x3FAF] =	sst s7  }
0x10: {  	[smem:$0x3FB0] =	sst s8  }
0x11: {  	[smem:$0x3FB1] =	sst s9;
	s0 =	simm.s32 @!p0 $0x0  }
0x12: {  	s1 =	sld [smem:$0x3F97];
	s0 =	simm.s32 @p0 $0x1  }
0x13: {  	[smem:$0x3FB2] =	sst s0;
	s0 =	simm.s32 @!p1 $0x0  }
0x14: {  	s2 =	sld [smem:$0x3F96];
	s0 =	simm.s32 @p1 $0x1  }
0x15: {  	[smem:$0x3FB3] =	sst s0;
	s0 =	simm.s32 @!p2 $0x0  }
0x16: {  	s3 =	sld [smem:$0x3FDB];
	s0 =	simm.s32 @p2 $0x1  }
0x17: {  	s4 =	simm.s32 $0x1BF5;
	[smem:$0x3FB5] =	sst s0  }
0x18: {  	s0 =	sld [smem:$0x3F98];
	_ =	swait.ge [sflag:s4], $0x0  }
0x19: {  	s7 =	sld [smem:$0x3F99]  }
0x1a: {  	s8 =	sadd.s32 $0xFFFFE003, lr  }
0x1b: {  	s9 =	sadd.s32 $0xFFFFFEF7, lr;
	s5 =	simm.s32 $0xFFFFFFFF;
	p2 =	slt.u32 s8, $0xFFFFF086  }
0x1c: {  	p1 =	slt.u32 s9, $0xF7A;
	s5 =	simm.s32 @!p2 $0x0  }
0x1d: {  	s5 =	simm.s32 @p1 $0x1;
	p0 =	seq.s32 s7, s2  }
0x1e: {  	s7 =	smul.u32 @!p0 $0xF7A, s2;
	p2 =	seq.s32 @!p0 s5, $0x0  }
0x1f: {  	s9 =	smul.u32 $0xF7A, s1;
	s8 =	simm.s32 @!p0 $0x1BF5;
	p2 =	por !p2, p0  }
0x20: {  	[sflag:s8] =	ssyncset.s32 @!p0 $0xFFFFF086;
	s6 =	sadd.s32 @!p0 s3, s7;
	s7 =	simm.s32 @!p0 $0x108  }
0x21: {  	s3 =	sadd.s32 s3, s9;
	s6 =	sadd.s32 @!p0 $0x88, s6;
	s7 =	simm.s32 @p2 $0x1082  }
0x22: {  	[simem:s7], [sflag:s8] =	dma.local @!p0 [hbm:s6], $0xF7A  }
0x23: {  	s9 =	sor.u32 $0xD0000000, s2;
	s6 =	simm.s32 $0x108;
	_ =	swait.ge @!p0 [sflag:s8], $0x0  }
0x24: {  	s3 =	sadd.s32 $0x88, s3;
	s6 =	simm.s32 @!p1 $0x1082;
	[sflag:s4] =	ssyncset.s32 $0xFFFFF086  }
0x25: {  	[simem:s6], [sflag:s4] =	dma.local [hbm:s3], $0xF7A  }
0x26: {  	[smem:$0x3F99] =	sst s1;
	(tag) =	ssettag s2;
	_ =	strace s9  }
0x27: {  	s1 =	sld [smem:$0x3FA9]  }
0x28: {  	s2 =	sld [smem:$0x3FAA]  }
0x29: {  	s4 =	sld [smem:$0x3FAC]  }
0x2a: {  	p0 =	seq.s32 s5, $0x0;
	s5 =	sld [smem:$0x3FAD]  }
0x2b: {  	s6 =	sld [smem:$0x3FAE]  }
0x2c: {  	s7 =	sld [smem:$0x3FAF]  }
0x2d: {  	s3 =	simm.s32 $0x108;
	s8 =	sld [smem:$0x3FB0]  }
0x2e: {  	s3 =	simm.s32 @!p0 $0x1082;
	s9 =	sld [smem:$0x3FB1]  }
0x2f: {  	lr =	sadd.s32 s0, s3;
	s0 =	sld [smem:$0x3FA8]  }
0x30: {  	s3 =	sld [smem:$0x3FAB]  }
0x31: {  	[smem:$0x3FB4] =	sst s10  }
0x32: {  	s10 =	sld [smem:$0x3FB2];
	_ =	sdelay $0x3  }
0x33: {  	p0 =	seq.s32 s10, $0x1;
	s10 =	sld [smem:$0x3FB4];
	_ =	sdelay $0x3  }
0x34: {  	[smem:$0x3FB4] =	sst s10  }
0x35: {  	s10 =	sld [smem:$0x3FB3];
	_ =	sdelay $0x3  }
0x36: {  	p1 =	seq.s32 s10, $0x1;
	s10 =	sld [smem:$0x3FB4];
	_ =	sdelay $0x3  }
0x37: {  	[smem:$0x3FB4] =	sst s10  }
0x38: {  	s10 =	sld [smem:$0x3FB5]  }
0x39: {  	_ = 	snop;
	(pc) =	sbr.ind lr, $3  }
0x3a: {  	_ = 	snop  }
0x3b: {  	_ = 	snop  }
0x3c: {  	p2 =	seq.s32 s10, $0x1;
	s10 =	sld [smem:$0x3FB4]  }
0x3d: {  	_ =	shalt  }
0x3e: {  	_ =	shalt  }
0x3f: {  	_ =	shalt  }
0x40: {  	_ =	shalt  }
0x41: {  	_ =	shalt  }
0x42: {  	_ =	shalt  }
0x43: {  	_ =	shalt  }
0x44: {  	_ =	shalt  }
0x45: {  	_ =	shalt  }
0x46: {  	_ =	shalt  }
0x47: {  	_ =	shalt  }
0x48: {  	_ =	shalt  }
0x49: {  	_ =	shalt  }
0x4a: {  	_ =	shalt  }
0x4b: {  	_ =	shalt  }
0x4c: {  	_ =	shalt  }
0x4d: {  	_ =	shalt  }
0x4e: {  	_ =	shalt  }
0x4f: {  	_ =	shalt  }
0x50: {  	_ =	shalt  }
0x51: {  	_ =	shalt  }
0x52: {  	_ =	shalt  }
0x53: {  	_ =	shalt  }
0x54: {  	_ =	shalt  }
0x55: {  	_ =	shalt  }
0x56: {  	_ =	shalt  }
0x57: {  	_ =	shalt  }
0x58: {  	_ =	shalt  }
0x59: {  	_ =	shalt  }
0x5a: {  	_ =	shalt  }
0x5b: {  	_ =	shalt  }
0x5c: {  	_ =	shalt  }
0x5d: {  	_ =	shalt  }
0x5e: {  	_ =	shalt  }
0x5f: {  	_ =	shalt  }
0x60: {  	_ =	shalt  }
0x61: {  	_ =	shalt  }
0x62: {  	_ =	shalt  }
0x63: {  	_ =	shalt  }
0x64: {  	_ =	shalt  }
0x65: {  	_ =	shalt  }
0x66: {  	_ =	shalt  }
0x67: {  	_ =	shalt  }
0x68: {  	_ =	shalt  }
0x69: {  	_ =	shalt  }
0x6a: {  	_ =	shalt  }
0x6b: {  	_ =	shalt  }
0x6c: {  	_ =	shalt  }
0x6d: {  	_ =	shalt  }
0x6e: {  	_ =	shalt  }
0x6f: {  	_ =	shalt  }
0x70: {  	_ =	shalt  }
0x71: {  	_ =	shalt  }
0x72: {  	_ =	shalt  }
0x73: {  	_ =	shalt  }
0x74: {  	_ =	shalt  }
0x75: {  	_ =	shalt  }
0x76: {  	_ =	shalt  }
0x77: {  	_ =	shalt  }
0x78: {  	_ =	shalt  }
0x79: {  	_ =	shalt  }
0x7a: {  	_ =	shalt  }
0x7b: {  	_ =	shalt  }
0x7c: {  	_ =	shalt  }
0x7d: {  	_ =	shalt  }
0x7e: {  	_ =	shalt  }
0x7f: {  	_ =	shalt  }
0x80: {  	_ =	shalt  }
0x81: {  	_ =	shalt  }
0x82: {  	_ =	shalt  }
0x83: {  	_ =	shalt  }
0x84: {  	_ =	shalt  }
0x85: {  	_ =	shalt  }
0x86: {  	_ =	shalt  }
0x87: {  	_ =	shalt  }
.Lfunc_end0:
.L_simem_size_0:
called_computation.1_lowered:
.L_overlay_start_0:
0x88: {  	s2 =	sld [smem:$0x3FD9]  }
0x89: {  	s3 =	sld [smem:$0x3FFE];
	_ =	sdelay $0x1  }
0x8a: {  	s1 =	srdreg.scid  }
0x8b: {  	s0 =	sand.u32 $0x1, s1  }
0x8c: {  	s16 =	sshll.u32 s0, $0xA;
	s2 =	sadd.s32 s3, s2  }
0x8d: {  	s2 =	sadd.s32 s2, s16  }
0x8e: {  	[smem:$0x3FC0] =	sst s2  }
0x8f: {  	_ = 	snop  }
0x90: {  	(tm) =	ssettm $0x1  }
0x91: {  	s17 =	sld [smem:$0x3FFB];
	_ =	sdelay $0x3  }
0x92: {  	_ =	strace s17  }
0x93: {  	s2 =	sld [smem:$0x3FFC];
	_ =	sdelay $0x3  }
0x94: {  	_ =	strace s2  }
0x95: {  	s2 =	sld [smem:$0x3FFD];
	_ =	sdelay $0x3  }
0x96: {  	_ =	strace s2  }
0x97: {  	_ =	strace $0x8FFFFFFF  }
0x98: {  	s18 =	sld [smem:$0x3FDB];
	_ =	sdelay $0x1  }
0x99: {  	s19 =	simm.s32 $_scs_section_size  }
0x9a: {  	s4 =	simm.s32 $_size__tile_overlayer_lowered;
	s5 =	simm.s32 $_tile_overlayer_lowered  }
0x9b: {  	s22 =	simm.s32 $0x1BFF;
	s21 =	sshll.u32 s5, $0x1;
	s2 =	sadd.s32 s19, s18  }
0x9c: {  	s6 =	simm.s32 $0x0;
	s20 =	sshll.u32 s4, $0x1;
	s4 =	sadd.s32 s21, s2  }
0x9d: {  	[timem:s6], [sflag:s22] =	dma.local [hbm:s4], s20  }
0x9e: {  	_ =	swait.ge [sflag:s22], s20  }
0x9f: {  	s3 =	ssub.s32 $0x0, s20;
	[sflag:s22] =	ssyncset.done $0x0  }
0xa0: {  	[sflag:s22] =	ssyncadd.s32 s3;
	_ =	sdelay $0x1  }
0xa1: {  	s23 =	simm.s32 $0x1B8B  }
0xa2: {  	_ =	swait.ge [sflag:s23], $0x1  }
0xa3: {  	[sflag:s23] =	ssyncset.done $0x0  }
0xa4: {  	s25 =	simm.s32 $0x1B8E;
	s24 =	sld [smem:$0x3FFE];
	[sflag:s23] =	ssyncadd.s32 $0xFFFFFFFF  }
0xa5: {  	s26 =	simm.s32 $execute0_lowered;
	[smem:$0x3FD2] =	sst s25  }
0xa6: {  	s4 =	sshll.u32 s26, $0x1;
	_ =	strace $0x80000049;
	[dreg:$0x1] =	wrdreg $0xFFFFFFFF  }
0xa7: {  	s28 =	simm.s32 $_size_execute0_lowered;
	s2 =	sadd.s32 s2, s4;
	[dreg:$0x0] =	wrdreg $0x0  }
0xa8: {  	s4 =	sshll.u32 s28, $0x1;
	[dreg:$0x2] =	wrdreg s2  }
0xa9: {  	[dreg:$0x3] =	wrdreg s4  }
0xaa: {  	[dreg:$0x4] =	wrdreg $0xC0  }
0xab: {  	_ =	task [dreg:s6], $0x5FFFF  }
0xac: {  	[dreg:$0x1] =	wrdreg $0xFFFFFFFF  }
0xad: {  	[dreg:$0x0] =	wrdreg $0x60  }
0xae: {  	[dreg:$0x2] =	wrdreg s24  }
0xaf: {  	[dreg:$0x3] =	wrdreg $0x0  }
0xb0: {  	[dreg:$0x4] =	wrdreg $0x9  }
0xb1: {  	_ =	task.clear_ibuf [dreg:s6], $0x5FFFF;
	_ =	strace $0x90000049  }
0xb2: {  	s29 =	simm.s32 $0x9;
	_ =	strace $0x8000004B  }
0xb3: {  	_ =	swait.ge [sflag:s29], $0x1  }
0xb4: {  	[sflag:s29] =	ssyncadd.s32 $0xFFFFFFFF  }
0xb5: {  	_ =	strace $0x9000004B  }
0xb6: {  	_ =	sfence  }
0xb7: {  	s30 =	sld [smem:$0x0];
	_ =	sdelay $0x2  }
0xb8: {  	s31 =	sshll.u32 s1, $0xD;
	s1 =	sshrl.u32 s1, $0x2  }
0xb9: {  	s3 =	sand.u32 $0x4000, s31;
	s1 =	sadd.s32 s1, s30  }
0xba: {  	s0 =	sor.u32 s3, s0;
	s1 =	sshll.u32 s1, $0x11  }
0xbb: {  	s0 =	sor.u32 s1, s0  }
0xbc: {  	s0 =	sadd.s32 $0x8F2B, s0  }
0xbd: {  	[sflag:s0] =	ssyncadd.remote.s32 $0x1  }
0xbe: {  	_ =	sfence.sel $0xFFFF  }
0xbf: {  	[dreg:$0x0] =	wrdreg $0xFFFFFFFF;
	(pc) =	sbr.abs _section_cstart, $3  }
0xc0: {  	[dreg:$0x1] =	wrdreg $0xFFFFFFFF  }
0xc1: {  	_ =	task.clear_ibuf [dreg:s6], $0x2FFFF;
	_ =	strace $0x9FFFFFFF  }
0xc2: {  	(tm) =	ssettm $0x7FFFFFFF  }
0xc3: {  	_ =	shalt  }
tec
execute0_lowered:
.L_overlay_start_1:
0x0: {  	(tag) =	ssettag $0x1  }
0x1: {  	s0 =	rddreg [dreg:$0x0]  }
0x2: {  	s2 =	rddreg [dreg:$0x1]  }
0x3: {  	s1 =	srdreg.scid;
	s8 =	stileid.u32;
	s3 =	simm.s32 $0x0  }
0x4: {  	s14 =	simm.s32 $0x5000;
	s16 =	simm.s32 $0x16000;
	s17 =	simm.s32 $0x4  }
0x5: {  	s18 =	simm.s32 $0x3;
	s19 =	simm.s32 $0x80;
	s30 =	simm.s32 $0x5280  }
0x6: {  	s31 =	simm.s32 $0xF000;
	s15 =	simm.s32 $0x5380;
	s20 =	simm.s32 $0x11000  }
0x7: {  	s21 =	simm.s32 $0x1;
	s22 =	simm.s32 $0x2;
	s7 =	smul.u32 $0x5000, s8  }
0x8: {  	s1 =	sand.u32 $0x1, s1;
	s4 =	sshll.u32 s8, $0x1;
	s8 =	smul.u32 $0x14000, s8  }
0x9: {  	s23 =	simm.s32 $0x0;
	[smem:$0x7FF] =	sst s3;
	s5 =	smul.u32 $0x50000, s1  }
0xa: {  	_ =	strace $0x8000004A;
	s6 =	sor.u32 s1, s4;
	s1 =	ssub.s32 $0x2, s1  }
0xb: {  	s4 =	sadd.s32 $0x3E800, s0;
	s6 =	smul.u32 $0x500, s6;
	s29 =	sshrl.u32 s1, $0x1  }
0xc: {  	s8 =	sshrl.u32 s8, $0x2;
	s5 =	sadd.s32 s7, s5;
	s1 =	ssub.s32 s1, s29  }
0xd: {  	s7 =	sadd.s32 s7, s2;
	s11 =	sadd.s32 s8, s2;
	s5 =	sshrl.u32 s5, $0x3  }
0xe: {  	s6 =	sadd.s32 s6, s0;
	s8 =	sadd.s32 $0x1000, s11;
	s9 =	sadd.s32 $0x2000, s11  }
0xf: {  	s10 =	sadd.s32 $0x3000, s11;
	s11 =	sadd.s32 $0x4000, s11;
	s13 =	smax.u32 s1, $0x1  }
0x10: {  	s1 =	simm.s32 $0x10000;
	s0 =	sadd.s32 s5, s0;
	s5 =	sadd.s32 $0xC800, s6  }
0x11: {  	v0 =	vimm.f32 $0.0e+00;
	s6 =	sadd.s32 $0x2800, s6;
	s12 =	sadd.s32 $0x48600, s0;
	s0 =	simm.s32 $0x5300  }
.LBB2_1:
0x12: {  	[tilespmem:s14], [sflag:$0x3] =	stream.linear.gather [hbm4b:s5+s3], $0x2800, $0x38;
	[tilespmem:$0x17000] =	vst v63  }
0x13: {  	s24 =	simm.s32 $0x7800  }
0x14: {  	[tilespmem:s24], [sflag:$0x3] =	stream.linear.gather [hbm4b:s6+s3], $0x2800, $0x38;
	[tilespmem:$0x17000] =	vst v63  }
0x15: {  	s25 =	simm.s32 $0x0;
	s24 =	simm.s32 $0x80  }
.LBB2_2:
0x16: {  	p0 =	sne.s32 s24, $0x3F80;
	[tilespmem:s25+$0x16000] =	vst v0;
	s26 =	smov.u32 s24;
	s24 =	sadd.s32 $0x80, s24  }
.Ltmp0:
0x17: {  	[tilespmem:s25+$0x16010] =	vst v0;
	(pc) =	sbr.rel @p0 .LBB2_2-.Ltmp0, $2  }
0x18: {  	_ =	sdelay $0x2  }
0x19: {  	s25 =	sshra.s32 s26, $0x2  }
0x1a: {  	[tilespmem:s25+$0x16000] =	vst v0  }
0x1b: {  	[tilespmem:s25+$0x16010] =	vst v0  }
0x1c: {  	[spmem:s7] =	stream.linear.scatter [tilespmem:s16], [sflag:$0x4], $0x1000, $0x38;
	[tilespmem:$0x17000] =	vst v63  }
0x1d: {  	_ =	swait.ge [sflag:s17], $0x1000  }
0x1e: {  	[sflag:s17] =	ssyncset.done $0x0  }
0x1f: {  	[sflag:s17] =	ssyncadd.s32 $0xFFFFF000  }
0x20: {  	[spmem:s8] =	stream.linear.scatter [tilespmem:s16], [sflag:$0x4], $0x1000, $0x38;
	[tilespmem:$0x17000] =	vst v63  }
0x21: {  	_ =	swait.ge [sflag:s17], $0x1000  }
0x22: {  	[sflag:s17] =	ssyncset.done $0x0  }
0x23: {  	[sflag:s17] =	ssyncadd.s32 $0xFFFFF000  }
0x24: {  	[spmem:s9] =	stream.linear.scatter [tilespmem:s16], [sflag:$0x4], $0x1000, $0x38;
	[tilespmem:$0x17000] =	vst v63  }
0x25: {  	_ =	swait.ge [sflag:s17], $0x1000  }
0x26: {  	[sflag:s17] =	ssyncset.done $0x0  }
0x27: {  	[sflag:s17] =	ssyncadd.s32 $0xFFFFF000  }
0x28: {  	[spmem:s10] =	stream.linear.scatter [tilespmem:s16], [sflag:$0x4], $0x1000, $0x38;
	[tilespmem:$0x17000] =	vst v63  }
0x29: {  	_ =	swait.ge [sflag:s17], $0x1000  }
0x2a: {  	[sflag:s17] =	ssyncset.done $0x0  }
0x2b: {  	[sflag:s17] =	ssyncadd.s32 $0xFFFFF000  }
0x2c: {  	[spmem:s11] =	stream.linear.scatter [tilespmem:s16], [sflag:$0x4], $0x1000, $0x38;
	[tilespmem:$0x17000] =	vst v63  }
0x2d: {  	_ =	swait.ge [sflag:s17], $0x1000  }
0x2e: {  	[sflag:s17] =	ssyncset.done $0x0  }
0x2f: {  	[sflag:s17] =	ssyncadd.s32 $0xFFFFF000  }
0x30: {  	_ =	swait.ge [sflag:s18], $0x2800  }
0x31: {  	[sflag:s18] =	ssyncset.done $0x0  }
0x32: {  	[sflag:s18] =	ssyncadd.s32 $0xFFFFD800  }
0x33: {  	_ =	swait.ge [sflag:s18], $0x2800  }
0x34: {  	[sflag:s18] =	ssyncset.done $0x0  }
0x35: {  	[sflag:s18] =	ssyncadd.s32 $0xFFFFD800  }
0x36: {  	s24 =	simm.s32 $0xA000;
	[bflag:$0x0] =	sbarrier.arrive $0xFFFF  }
0x37: {  	[tilespmem:s24], [sflag:$0x1] =	stream.indirect.gather [hbm4b:s4+s19], $0x20, s14, s19, $0xb8;
	[tilespmem:$0x17000] =	vst v63  }
0x38: {  	s25 =	simm.s32 $0x5080;
	s26 =	simm.s32 $0xB000  }
0x39: {  	[tilespmem:s26], [sflag:$0x1] =	stream.indirect.gather [hbm4b:s4+s19], $0x20, s25, s19, $0xb8;
	[tilespmem:$0x17000] =	vst v63  }
0x3a: {  	s28 =	simm.s32 $0x5100;
	s29 =	simm.s32 $0xC000  }
0x3b: {  	[tilespmem:s29], [sflag:$0x1] =	stream.indirect.gather [hbm4b:s4+s19], $0x20, s28, s19, $0xb8;
	[tilespmem:$0x17000] =	vst v63  }
0x3c: {  	s25 =	simm.s32 $0x5180;
	s26 =	simm.s32 $0xD000  }
0x3d: {  	[tilespmem:s26], [sflag:$0x1] =	stream.indirect.gather [hbm4b:s4+s19], $0x20, s25, s19, $0xb8;
	[tilespmem:$0x17000] =	vst v63  }
0x3e: {  	s28 =	simm.s32 $0x5200;
	s29 =	simm.s32 $0xE000  }
0x3f: {  	[tilespmem:s29], [sflag:$0x1] =	stream.indirect.gather [hbm4b:s4+s19], $0x20, s28, s19, $0xb8;
	[tilespmem:$0x17000] =	vst v63  }
0x40: {  	_ = 	snop  }
0x41: {  	[tilespmem:s31], [sflag:$0x1] =	stream.indirect.gather [hbm4b:s4+s19], $0x20, s30, s19, $0xb8;
	[tilespmem:$0x17000] =	vst v63  }
0x42: {  	_ = 	snop  }
0x43: {  	[tilespmem:s1], [sflag:$0x1] =	stream.indirect.gather [hbm4b:s4+s19], $0x20, s0, s19, $0xb8;
	[tilespmem:$0x17000] =	vst v63  }
0x44: {  	s24 =	simm.s32 $0x0;
	s25 =	simm.s32 $0x5400;
	s26 =	simm.s32 $0x7800  }
0x45: {  	[tilespmem:s20], [sflag:$0x1] =	stream.indirect.gather [hbm4b:s4+s19], $0x20, s15, s19, $0xb8;
	[tilespmem:$0x17000] =	vst v63  }
.LBB2_4:
0x46: {  	s28 =	smul.u32 $0xAB, s24;
	_ =	sdelay $0x1  }
0x47: {  	s28 =	sshrl.u32 s28, $0xB  }
0x48: {  	s28 =	sand.u32 $0x1F, s28  }
0x49: {  	s28 =	smul.u32 $0xC, s28;
	_ =	sdelay $0x1  }
0x4a: {  	s28 =	ssub.s32 s24, s28  }
0x4b: {  	_ =	swait.ge [sflag:s21], $0x1000;
	s28 =	sand.u32 $0xFF, s28  }
0x4c: {  	[sflag:s21] =	ssyncset.done $0x0;
	s28 =	sshll.u32 s28, $0xC  }
0x4d: {  	p0 =	slt.u32 s24, $0x4;
	[sflag:s21] =	ssyncadd.s32 $0xFFFFF000;
	s28 =	sadd.s32 $0xA000, s28  }
0x4e: {  	[spmem:s2] =	stream.indirect.scatter.add.f32 [tilespmem:s28], [sflag:$0x2], $0x20, s26, s19, $0xb8;
	[tilespmem:$0x17000] =	vst v63  }
0x4f: {  	s28 =	simm.s32 @!p0 $0x2  }
0x50: {  	p1 =	sgt.u32 @!p0 s24, $0x47;
	_ =	swait.ge @!p0 [sflag:s28], $0x1000  }
0x51: {  	p1 =	por p0, !p1;
	[sflag:s28] =	ssyncset.done @!p0 $0x0  }
0x52: {  	[sflag:s28] =	ssyncadd.s32 @!p0 $0xFFFFF000;
	s28 =	sadd.s32 @p1 $0x8, s24  }
0x53: {  	s29 =	smul.u32 @p1 $0xAB, s28;
	_ =	sdelay $0x1  }
0x54: {  	s29 =	sshrl.u32 @p1 s29, $0xB  }
0x55: {  	s29 =	sand.u32 @p1 $0x1F, s29  }
0x56: {  	s29 =	smul.u32 @p1 $0xC, s29  }
0x57: {  	s24 =	sadd.s32 $0x1, s24  }
0x58: {  	p0 =	sne.s32 s24, $0x50;
	s28 =	ssub.s32 @p1 s28, s29  }
.Ltmp1:
0x59: {  	s28 =	sand.u32 @p1 $0xFF, s28;
	(pc) =	sbr.rel @p0 .LBB2_4-.Ltmp1, $4  }
0x5a: {  	s28 =	sshll.u32 @p1 s28, $0xC  }
0x5b: {  	s28 =	sadd.s32 @p1 $0xA000, s28  }
0x5c: {  	[tilespmem:s28], [sflag:$0x1] =	stream.indirect.gather @p1 [hbm4b:s4+s19], $0x20, s25, s19, $0xb8;
	[tilespmem:$0x17000] =	vst v63  }
0x5d: {  	s26 =	sadd.s32 $0x80, s26;
	s25 =	sadd.s32 $0x80, s25  }
0x5e: {  	_ =	swait.ge [sflag:s22], $0x1000  }
0x5f: {  	[sflag:s22] =	ssyncset.done $0x0  }
0x60: {  	[sflag:s22] =	ssyncadd.s32 $0xFFFFF000  }
0x61: {  	_ =	swait.ge [sflag:s22], $0x1000  }
0x62: {  	[sflag:s22] =	ssyncset.done $0x0  }
0x63: {  	[sflag:s22] =	ssyncadd.s32 $0xFFFFF000  }
0x64: {  	_ =	swait.ge [sflag:s22], $0x1000  }
0x65: {  	[sflag:s22] =	ssyncset.done $0x0  }
0x66: {  	[sflag:s22] =	ssyncadd.s32 $0xFFFFF000  }
0x67: {  	s24 =	stileid.u32;
	_ =	swait.ge [sflag:s22], $0x1000  }
0x68: {  	s25 =	sshrl.u32 s7, $0x3;
	s23 =	sadd.s32 $0x1, s23;
	[sflag:s22] =	ssyncset.done $0x0  }
0x69: {  	s24 =	sshll.u32 s24, $0x6;
	p0 =	sne.s32 s23, s13;
	[sflag:s22] =	ssyncadd.s32 $0xFFFFF000  }
.Ltmp2:
0x6a: {  	s24 =	sor.u32 $0x1C04, s24;
	[bflag:$0x0] =	sbarrier.arrive $0xFFFF;
	(pc) =	sbr.rel @p0 .LBB2_1-.Ltmp2, $4  }
0x6b: {  	[hbm:s12], [sflag:s24] =	dma.local [spmem:s25], $0xA00  }
0x6c: {  	_ =	swait.ge [sflag:s17], $0xA00  }
0x6d: {  	[sflag:s17] =	ssyncset.done $0x0  }
0x6e: {  	[sflag:s17] =	ssyncadd.s32 $0xFFFFF600  }
0x6f: {  	_ =	sfence.sel $0x180000  }
0x70: {  	[bflag:$0x0] =	sbarrier.arrive $0xFFFF  }
0x71: {  	_ =	strace $0x9000004A  }
0x72: {  	s0 =	stileid.u32;
	[bflag:$0x2] =	sbarrier.arrive $0xFFFF  }
0x73: {  	p0 =	sne.s32 s0, $0x0;
	s0 =	rddreg [dreg:$0x2]  }
0x74: {  	s0 =	sadd.s32 @!p0 $0x100000, s0  }
0x75: {  	[sflag:s0] =	ssyncadd.tile.s32 @!p0 $0x1;
	_ =	shalt  }
.Lfunc_end2:
_tile_overlayer_lowered:
.L_overlay_start_2:
0x76: {  	(tag) =	ssettag $0x2  }
0x77: {  	s0 =	rddreg [dreg:$0x0];
	s2 =	stileid.u32  }
0x78: {  	s1 =	rddreg [dreg:$0x1];
	p0 =	sne.s32 s2, $0x0  }
0x79: {  	s3 =	rddreg [dreg:$0x2];
	[bflag:$0x3] =	sbarrier.arrive $0xFFFF;
	s2 =	simm.s32 @!p0 $0x1C04  }
0x7a: {  	[timem:s3], [sflag:s2] =	dma.local @!p0 [hbm:s0], s1  }
0x7b: {  	s0 =	simm.s32 @!p0 $0x4  }
0x7c: {  	_ =	swait.ge @!p0 [sflag:s0], s1  }
0x7d: {  	s1 =	ssub.s32 @!p0 $0x0, s1;
	[sflag:s0] =	ssyncset.done @!p0 $0x0  }
0x7e: {  	[sflag:s0] =	ssyncadd.s32 @!p0 s1  }
0x7f: {  	[bflag:$0x3] =	sbarrier.arrive $0xFFFF  }
0x80: {  	_ =	shalt  }

// kernel: kernel.14.cloned.1.call-start
scs
__scs_entry_jumppad:
0x0: {  	(pc) =	sbr.rel $0x88, $3  }
0x1: {  	(tag) =	ssettag $0x0;
	lr =	simm.s32 $0x1  }
0x2: {  	[smem:$0x3F99] =	sst lr;
	_ =	strace $0xD0000000  }
0x3: {  	_ = 	snop  }
0x4: {  	_ = 	snop  }
0x5: {  	_ = 	snop  }
0x6: {  	_ = 	snop  }
0x7: {  	_ = 	snop  }
__scs_overlays_trampoline_lowered:
0x8: {  	[smem:$0x3FA8] =	sst s0  }
0x9: {  	[smem:$0x3FA9] =	sst s1  }
0xa: {  	[smem:$0x3FAA] =	sst s2  }
0xb: {  	[smem:$0x3FAB] =	sst s3  }
0xc: {  	[smem:$0x3FAC] =	sst s4  }
0xd: {  	[smem:$0x3FAD] =	sst s5  }
0xe: {  	[smem:$0x3FAE] =	sst s6  }
0xf: {  	[smem:$0x3FAF] =	sst s7  }
0x10: {  	[smem:$0x3FB0] =	sst s8  }
0x11: {  	[smem:$0x3FB1] =	sst s9;
	s0 =	simm.s32 @!p0 $0x0  }
0x12: {  	s1 =	sld [smem:$0x3F97];
	s0 =	simm.s32 @p0 $0x1  }
0x13: {  	[smem:$0x3FB2] =	sst s0;
	s0 =	simm.s32 @!p1 $0x0  }
0x14: {  	s2 =	sld [smem:$0x3F96];
	s0 =	simm.s32 @p1 $0x1  }
0x15: {  	[smem:$0x3FB3] =	sst s0;
	s0 =	simm.s32 @!p2 $0x0  }
0x16: {  	s3 =	sld [smem:$0x3FDB];
	s0 =	simm.s32 @p2 $0x1  }
0x17: {  	s4 =	simm.s32 $0x1BF5;
	[smem:$0x3FB5] =	sst s0  }
0x18: {  	s0 =	sld [smem:$0x3F98];
	_ =	swait.ge [sflag:s4], $0x0  }
0x19: {  	s7 =	sld [smem:$0x3F99]  }
0x1a: {  	s8 =	sadd.s32 $0xFFFFE003, lr  }
0x1b: {  	s9 =	sadd.s32 $0xFFFFFEF7, lr;
	s5 =	simm.s32 $0xFFFFFFFF;
	p2 =	slt.u32 s8, $0xFFFFF086  }
0x1c: {  	p1 =	slt.u32 s9, $0xF7A;
	s5 =	simm.s32 @!p2 $0x0  }
0x1d: {  	s5 =	simm.s32 @p1 $0x1;
	p0 =	seq.s32 s7, s2  }
0x1e: {  	s7 =	smul.u32 @!p0 $0xF7A, s2;
	p2 =	seq.s32 @!p0 s5, $0x0  }
0x1f: {  	s9 =	smul.u32 $0xF7A, s1;
	s8 =	simm.s32 @!p0 $0x1BF5;
	p2 =	por !p2, p0  }
0x20: {  	[sflag:s8] =	ssyncset.s32 @!p0 $0xFFFFF086;
	s6 =	sadd.s32 @!p0 s3, s7;
	s7 =	simm.s32 @!p0 $0x108  }
0x21: {  	s3 =	sadd.s32 s3, s9;
	s6 =	sadd.s32 @!p0 $0x88, s6;
	s7 =	simm.s32 @p2 $0x1082  }
0x22: {  	[simem:s7], [sflag:s8] =	dma.local @!p0 [hbm:s6], $0xF7A  }
0x23: {  	s9 =	sor.u32 $0xD0000000, s2;
	s6 =	simm.s32 $0x108;
	_ =	swait.ge @!p0 [sflag:s8], $0x0  }
0x24: {  	s3 =	sadd.s32 $0x88, s3;
	s6 =	simm.s32 @!p1 $0x1082;
	[sflag:s4] =	ssyncset.s32 $0xFFFFF086  }
0x25: {  	[simem:s6], [sflag:s4] =	dma.local [hbm:s3], $0xF7A  }
0x26: {  	[smem:$0x3F99] =	sst s1;
	(tag) =	ssettag s2;
	_ =	strace s9  }
0x27: {  	s1 =	sld [smem:$0x3FA9]  }
0x28: {  	s2 =	sld [smem:$0x3FAA]  }
0x29: {  	s4 =	sld [smem:$0x3FAC]  }
0x2a: {  	p0 =	seq.s32 s5, $0x0;
	s5 =	sld [smem:$0x3FAD]  }
0x2b: {  	s6 =	sld [smem:$0x3FAE]  }
0x2c: {  	s7 =	sld [smem:$0x3FAF]  }
0x2d: {  	s3 =	simm.s32 $0x108;
	s8 =	sld [smem:$0x3FB0]  }
0x2e: {  	s3 =	simm.s32 @!p0 $0x1082;
	s9 =	sld [smem:$0x3FB1]  }
0x2f: {  	lr =	sadd.s32 s0, s3;
	s0 =	sld [smem:$0x3FA8]  }
0x30: {  	s3 =	sld [smem:$0x3FAB]  }
0x31: {  	[smem:$0x3FB4] =	sst s10  }
0x32: {  	s10 =	sld [smem:$0x3FB2];
	_ =	sdelay $0x3  }
0x33: {  	p0 =	seq.s32 s10, $0x1;
	s10 =	sld [smem:$0x3FB4];
	_ =	sdelay $0x3  }
0x34: {  	[smem:$0x3FB4] =	sst s10  }
0x35: {  	s10 =	sld [smem:$0x3FB3];
	_ =	sdelay $0x3  }
0x36: {  	p1 =	seq.s32 s10, $0x1;
	s10 =	sld [smem:$0x3FB4];
	_ =	sdelay $0x3  }
0x37: {  	[smem:$0x3FB4] =	sst s10  }
0x38: {  	s10 =	sld [smem:$0x3FB5]  }
0x39: {  	_ = 	snop;
	(pc) =	sbr.ind lr, $3  }
0x3a: {  	_ = 	snop  }
0x3b: {  	_ = 	snop  }
0x3c: {  	p2 =	seq.s32 s10, $0x1;
	s10 =	sld [smem:$0x3FB4]  }
0x3d: {  	_ =	shalt  }
0x3e: {  	_ =	shalt  }
0x3f: {  	_ =	shalt  }
0x40: {  	_ =	shalt  }
0x41: {  	_ =	shalt  }
0x42: {  	_ =	shalt  }
0x43: {  	_ =	shalt  }
0x44: {  	_ =	shalt  }
0x45: {  	_ =	shalt  }
0x46: {  	_ =	shalt  }
0x47: {  	_ =	shalt  }
0x48: {  	_ =	shalt  }
0x49: {  	_ =	shalt  }
0x4a: {  	_ =	shalt  }
0x4b: {  	_ =	shalt  }
0x4c: {  	_ =	shalt  }
0x4d: {  	_ =	shalt  }
0x4e: {  	_ =	shalt  }
0x4f: {  	_ =	shalt  }
0x50: {  	_ =	shalt  }
0x51: {  	_ =	shalt  }
0x52: {  	_ =	shalt  }
0x53: {  	_ =	shalt  }
0x54: {  	_ =	shalt  }
0x55: {  	_ =	shalt  }
0x56: {  	_ =	shalt  }
0x57: {  	_ =	shalt  }
0x58: {  	_ =	shalt  }
0x59: {  	_ =	shalt  }
0x5a: {  	_ =	shalt  }
0x5b: {  	_ =	shalt  }
0x5c: {  	_ =	shalt  }
0x5d: {  	_ =	shalt  }
0x5e: {  	_ =	shalt  }
0x5f: {  	_ =	shalt  }
0x60: {  	_ =	shalt  }
0x61: {  	_ =	shalt  }
0x62: {  	_ =	shalt  }
0x63: {  	_ =	shalt  }
0x64: {  	_ =	shalt  }
0x65: {  	_ =	shalt  }
0x66: {  	_ =	shalt  }
0x67: {  	_ =	shalt  }
0x68: {  	_ =	shalt  }
0x69: {  	_ =	shalt  }
0x6a: {  	_ =	shalt  }
0x6b: {  	_ =	shalt  }
0x6c: {  	_ =	shalt  }
0x6d: {  	_ =	shalt  }
0x6e: {  	_ =	shalt  }
0x6f: {  	_ =	shalt  }
0x70: {  	_ =	shalt  }
0x71: {  	_ =	shalt  }
0x72: {  	_ =	shalt  }
0x73: {  	_ =	shalt  }
0x74: {  	_ =	shalt  }
0x75: {  	_ =	shalt  }
0x76: {  	_ =	shalt  }
0x77: {  	_ =	shalt  }
0x78: {  	_ =	shalt  }
0x79: {  	_ =	shalt  }
0x7a: {  	_ =	shalt  }
0x7b: {  	_ =	shalt  }
0x7c: {  	_ =	shalt  }
0x7d: {  	_ =	shalt  }
0x7e: {  	_ =	shalt  }
0x7f: {  	_ =	shalt  }
0x80: {  	_ =	shalt  }
0x81: {  	_ =	shalt  }
0x82: {  	_ =	shalt  }
0x83: {  	_ =	shalt  }
0x84: {  	_ =	shalt  }
0x85: {  	_ =	shalt  }
0x86: {  	_ =	shalt  }
0x87: {  	_ =	shalt  }
.Lfunc_end0:
.L_simem_size_0:
called_computation.2_lowered:
.L_overlay_start_0:
0x88: {  	s2 =	sld [smem:$0x3FD9]  }
0x89: {  	s3 =	sld [smem:$0x3FFE];
	_ =	sdelay $0x1  }
0x8a: {  	s1 =	srdreg.scid  }
0x8b: {  	s0 =	sand.u32 $0x1, s1  }
0x8c: {  	s16 =	sshll.u32 s0, $0xA;
	s2 =	sadd.s32 s3, s2  }
0x8d: {  	s2 =	sadd.s32 s2, s16  }
0x8e: {  	[smem:$0x3FC0] =	sst s2  }
0x8f: {  	_ = 	snop  }
0x90: {  	(tm) =	ssettm $0x1  }
0x91: {  	s17 =	sld [smem:$0x3FFB];
	_ =	sdelay $0x3  }
0x92: {  	_ =	strace s17  }
0x93: {  	s2 =	sld [smem:$0x3FFC];
	_ =	sdelay $0x3  }
0x94: {  	_ =	strace s2  }
0x95: {  	s2 =	sld [smem:$0x3FFD];
	_ =	sdelay $0x3  }
0x96: {  	_ =	strace s2  }
0x97: {  	_ =	strace $0x8FFFFFFF  }
0x98: {  	s18 =	sld [smem:$0x3FDB];
	_ =	sdelay $0x1  }
0x99: {  	s19 =	simm.s32 $_scs_section_size  }
0x9a: {  	s4 =	simm.s32 $_size__tile_overlayer_lowered;
	s5 =	simm.s32 $_tile_overlayer_lowered  }
0x9b: {  	s22 =	simm.s32 $0x1BFF;
	s21 =	sshll.u32 s5, $0x1;
	s2 =	sadd.s32 s19, s18  }
0x9c: {  	s6 =	simm.s32 $0x0;
	s20 =	sshll.u32 s4, $0x1;
	s4 =	sadd.s32 s21, s2  }
0x9d: {  	[timem:s6], [sflag:s22] =	dma.local [hbm:s4], s20  }
0x9e: {  	_ =	swait.ge [sflag:s22], s20  }
0x9f: {  	s3 =	ssub.s32 $0x0, s20;
	[sflag:s22] =	ssyncset.done $0x0  }
0xa0: {  	[sflag:s22] =	ssyncadd.s32 s3;
	_ =	sdelay $0x1  }
0xa1: {  	s23 =	simm.s32 $0x1B8B  }
0xa2: {  	_ =	swait.ge [sflag:s23], $0x1  }
0xa3: {  	[sflag:s23] =	ssyncset.done $0x0  }
0xa4: {  	s25 =	simm.s32 $0x1B8E;
	s24 =	sld [smem:$0x3FFE];
	[sflag:s23] =	ssyncadd.s32 $0xFFFFFFFF  }
0xa5: {  	s26 =	simm.s32 $execute0_lowered;
	[smem:$0x3FD2] =	sst s25  }
0xa6: {  	s4 =	sshll.u32 s26, $0x1;
	_ =	strace $0x8000004C;
	[dreg:$0x1] =	wrdreg $0xFFFFFFFF  }
0xa7: {  	s28 =	simm.s32 $_size_execute0_lowered;
	s2 =	sadd.s32 s2, s4;
	[dreg:$0x0] =	wrdreg $0x0  }
0xa8: {  	s4 =	sshll.u32 s28, $0x1;
	[dreg:$0x2] =	wrdreg s2  }
0xa9: {  	[dreg:$0x3] =	wrdreg s4  }
0xaa: {  	[dreg:$0x4] =	wrdreg $0xC0  }
0xab: {  	_ =	task [dreg:s6], $0x5FFFF  }
0xac: {  	[dreg:$0x1] =	wrdreg $0xFFFFFFFF  }
0xad: {  	[dreg:$0x0] =	wrdreg $0x60  }
0xae: {  	[dreg:$0x2] =	wrdreg s24  }
0xaf: {  	[dreg:$0x3] =	wrdreg $0x0  }
0xb0: {  	[dreg:$0x4] =	wrdreg $0x9  }
0xb1: {  	_ =	task.clear_ibuf [dreg:s6], $0x5FFFF;
	_ =	strace $0x9000004C  }
0xb2: {  	s29 =	simm.s32 $0x9;
	_ =	strace $0x8000004E  }
0xb3: {  	_ =	swait.ge [sflag:s29], $0x1  }
0xb4: {  	[sflag:s29] =	ssyncadd.s32 $0xFFFFFFFF  }
0xb5: {  	_ =	strace $0x9000004E  }
0xb6: {  	_ =	sfence  }
0xb7: {  	s30 =	sld [smem:$0x0];
	_ =	sdelay $0x2  }
0xb8: {  	s31 =	sshll.u32 s1, $0xD;
	s1 =	sshrl.u32 s1, $0x2  }
0xb9: {  	s3 =	sand.u32 $0x4000, s31;
	s1 =	sadd.s32 s1, s30  }
0xba: {  	s0 =	sor.u32 s3, s0;
	s1 =	sshll.u32 s1, $0x11  }
0xbb: {  	s0 =	sor.u32 s1, s0  }
0xbc: {  	s0 =	sadd.s32 $0x8F2B, s0  }
0xbd: {  	[sflag:s0] =	ssyncadd.remote.s32 $0x1  }
0xbe: {  	_ =	sfence.sel $0xFFFF  }
0xbf: {  	[dreg:$0x0] =	wrdreg $0xFFFFFFFF;
	(pc) =	sbr.abs _section_cstart, $3  }
0xc0: {  	[dreg:$0x1] =	wrdreg $0xFFFFFFFF  }
0xc1: {  	_ =	task.clear_ibuf [dreg:s6], $0x2FFFF;
	_ =	strace $0x9FFFFFFF  }
0xc2: {  	(tm) =	ssettm $0x7FFFFFFF  }
0xc3: {  	_ =	shalt  }
tec
execute0_lowered:
.L_overlay_start_1:
0x0: {  	(tag) =	ssettag $0x1  }
0x1: {  	s0 =	rddreg [dreg:$0x0]  }
0x2: {  	s2 =	rddreg [dreg:$0x1]  }
0x3: {  	s1 =	srdreg.scid;
	s8 =	stileid.u32;
	s3 =	simm.s32 $0x0  }
0x4: {  	s14 =	simm.s32 $0x5000;
	s16 =	simm.s32 $0x16000;
	s17 =	simm.s32 $0x4  }
0x5: {  	s18 =	simm.s32 $0x3;
	s19 =	simm.s32 $0x80;
	s30 =	simm.s32 $0x5280  }
0x6: {  	s31 =	simm.s32 $0xF000;
	s15 =	simm.s32 $0x5380;
	s20 =	simm.s32 $0x11000  }
0x7: {  	s21 =	simm.s32 $0x1;
	s22 =	simm.s32 $0x2;
	s7 =	smul.u32 $0x5000, s8  }
0x8: {  	s1 =	sand.u32 $0x1, s1;
	s4 =	sshll.u32 s8, $0x1;
	s8 =	smul.u32 $0x14000, s8  }
0x9: {  	s23 =	simm.s32 $0x0;
	[smem:$0x7FF] =	sst s3;
	s5 =	smul.u32 $0x50000, s1  }
0xa: {  	_ =	strace $0x8000004D;
	s6 =	sor.u32 s1, s4;
	s1 =	ssub.s32 $0x2, s1  }
0xb: {  	s4 =	sadd.s32 $0x3E800, s0;
	s6 =	smul.u32 $0x500, s6;
	s29 =	sshrl.u32 s1, $0x1  }
0xc: {  	s8 =	sshrl.u32 s8, $0x2;
	s5 =	sadd.s32 s7, s5;
	s1 =	ssub.s32 s1, s29  }
0xd: {  	s7 =	sadd.s32 s7, s2;
	s11 =	sadd.s32 s8, s2;
	s5 =	sshrl.u32 s5, $0x3  }
0xe: {  	s6 =	sadd.s32 s6, s0;
	s8 =	sadd.s32 $0x1000, s11;
	s9 =	sadd.s32 $0x2000, s11  }
0xf: {  	s10 =	sadd.s32 $0x3000, s11;
	s11 =	sadd.s32 $0x4000, s11;
	s13 =	smax.u32 s1, $0x1  }
0x10: {  	s1 =	simm.s32 $0x10000;
	s0 =	sadd.s32 s5, s0;
	s5 =	sadd.s32 $0xC800, s6  }
0x11: {  	v0 =	vimm.f32 $0.0e+00;
	s6 =	sadd.s32 $0x2800, s6;
	s12 =	sadd.s32 $0x48600, s0;
	s0 =	simm.s32 $0x5300  }
.LBB2_1:
0x12: {  	[tilespmem:s14], [sflag:$0x3] =	stream.linear.gather [hbm4b:s5+s3], $0x2800, $0x38;
	[tilespmem:$0x17000] =	vst v63  }
0x13: {  	s24 =	simm.s32 $0x7800  }
0x14: {  	[tilespmem:s24], [sflag:$0x3] =	stream.linear.gather [hbm4b:s6+s3], $0x2800, $0x38;
	[tilespmem:$0x17000] =	vst v63  }
0x15: {  	s25 =	simm.s32 $0x0;
	s24 =	simm.s32 $0x80  }
.LBB2_2:
0x16: {  	p0 =	sne.s32 s24, $0x3F80;
	[tilespmem:s25+$0x16000] =	vst v0;
	s26 =	smov.u32 s24;
	s24 =	sadd.s32 $0x80, s24  }
.Ltmp0:
0x17: {  	[tilespmem:s25+$0x16010] =	vst v0;
	(pc) =	sbr.rel @p0 .LBB2_2-.Ltmp0, $2  }
0x18: {  	_ =	sdelay $0x2  }
0x19: {  	s25 =	sshra.s32 s26, $0x2  }
0x1a: {  	[tilespmem:s25+$0x16000] =	vst v0  }
0x1b: {  	[tilespmem:s25+$0x16010] =	vst v0  }
0x1c: {  	[spmem:s7] =	stream.linear.scatter [tilespmem:s16], [sflag:$0x4], $0x1000, $0x38;
	[tilespmem:$0x17000] =	vst v63  }
0x1d: {  	_ =	swait.ge [sflag:s17], $0x1000  }
0x1e: {  	[sflag:s17] =	ssyncset.done $0x0  }
0x1f: {  	[sflag:s17] =	ssyncadd.s32 $0xFFFFF000  }
0x20: {  	[spmem:s8] =	stream.linear.scatter [tilespmem:s16], [sflag:$0x4], $0x1000, $0x38;
	[tilespmem:$0x17000] =	vst v63  }
0x21: {  	_ =	swait.ge [sflag:s17], $0x1000  }
0x22: {  	[sflag:s17] =	ssyncset.done $0x0  }
0x23: {  	[sflag:s17] =	ssyncadd.s32 $0xFFFFF000  }
0x24: {  	[spmem:s9] =	stream.linear.scatter [tilespmem:s16], [sflag:$0x4], $0x1000, $0x38;
	[tilespmem:$0x17000] =	vst v63  }
0x25: {  	_ =	swait.ge [sflag:s17], $0x1000  }
0x26: {  	[sflag:s17] =	ssyncset.done $0x0  }
0x27: {  	[sflag:s17] =	ssyncadd.s32 $0xFFFFF000  }
0x28: {  	[spmem:s10] =	stream.linear.scatter [tilespmem:s16], [sflag:$0x4], $0x1000, $0x38;
	[tilespmem:$0x17000] =	vst v63  }
0x29: {  	_ =	swait.ge [sflag:s17], $0x1000  }
0x2a: {  	[sflag:s17] =	ssyncset.done $0x0  }
0x2b: {  	[sflag:s17] =	ssyncadd.s32 $0xFFFFF000  }
0x2c: {  	[spmem:s11] =	stream.linear.scatter [tilespmem:s16], [sflag:$0x4], $0x1000, $0x38;
	[tilespmem:$0x17000] =	vst v63  }
0x2d: {  	_ =	swait.ge [sflag:s17], $0x1000  }
0x2e: {  	[sflag:s17] =	ssyncset.done $0x0  }
0x2f: {  	[sflag:s17] =	ssyncadd.s32 $0xFFFFF000  }
0x30: {  	_ =	swait.ge [sflag:s18], $0x2800  }
0x31: {  	[sflag:s18] =	ssyncset.done $0x0  }
0x32: {  	[sflag:s18] =	ssyncadd.s32 $0xFFFFD800  }
0x33: {  	_ =	swait.ge [sflag:s18], $0x2800  }
0x34: {  	[sflag:s18] =	ssyncset.done $0x0  }
0x35: {  	[sflag:s18] =	ssyncadd.s32 $0xFFFFD800  }
0x36: {  	s24 =	simm.s32 $0xA000;
	[bflag:$0x0] =	sbarrier.arrive $0xFFFF  }
0x37: {  	[tilespmem:s24], [sflag:$0x1] =	stream.indirect.gather [hbm4b:s4+s19], $0x20, s14, s19, $0xb8;
	[tilespmem:$0x17000] =	vst v63  }
0x38: {  	s25 =	simm.s32 $0x5080;
	s26 =	simm.s32 $0xB000  }
0x39: {  	[tilespmem:s26], [sflag:$0x1] =	stream.indirect.gather [hbm4b:s4+s19], $0x20, s25, s19, $0xb8;
	[tilespmem:$0x17000] =	vst v63  }
0x3a: {  	s28 =	simm.s32 $0x5100;
	s29 =	simm.s32 $0xC000  }
0x3b: {  	[tilespmem:s29], [sflag:$0x1] =	stream.indirect.gather [hbm4b:s4+s19], $0x20, s28, s19, $0xb8;
	[tilespmem:$0x17000] =	vst v63  }
0x3c: {  	s25 =	simm.s32 $0x5180;
	s26 =	simm.s32 $0xD000  }
0x3d: {  	[tilespmem:s26], [sflag:$0x1] =	stream.indirect.gather [hbm4b:s4+s19], $0x20, s25, s19, $0xb8;
	[tilespmem:$0x17000] =	vst v63  }
0x3e: {  	s28 =	simm.s32 $0x5200;
	s29 =	simm.s32 $0xE000  }
0x3f: {  	[tilespmem:s29], [sflag:$0x1] =	stream.indirect.gather [hbm4b:s4+s19], $0x20, s28, s19, $0xb8;
	[tilespmem:$0x17000] =	vst v63  }
0x40: {  	_ = 	snop  }
0x41: {  	[tilespmem:s31], [sflag:$0x1] =	stream.indirect.gather [hbm4b:s4+s19], $0x20, s30, s19, $0xb8;
	[tilespmem:$0x17000] =	vst v63  }
0x42: {  	_ = 	snop  }
0x43: {  	[tilespmem:s1], [sflag:$0x1] =	stream.indirect.gather [hbm4b:s4+s19], $0x20, s0, s19, $0xb8;
	[tilespmem:$0x17000] =	vst v63  }
0x44: {  	s24 =	simm.s32 $0x0;
	s25 =	simm.s32 $0x5400;
	s26 =	simm.s32 $0x7800  }
0x45: {  	[tilespmem:s20], [sflag:$0x1] =	stream.indirect.gather [hbm4b:s4+s19], $0x20, s15, s19, $0xb8;
	[tilespmem:$0x17000] =	vst v63  }
.LBB2_4:
0x46: {  	s28 =	smul.u32 $0xAB, s24;
	_ =	sdelay $0x1  }
0x47: {  	s28 =	sshrl.u32 s28, $0xB  }
0x48: {  	s28 =	sand.u32 $0x1F, s28  }
0x49: {  	s28 =	smul.u32 $0xC, s28;
	_ =	sdelay $0x1  }
0x4a: {  	s28 =	ssub.s32 s24, s28  }
0x4b: {  	_ =	swait.ge [sflag:s21], $0x1000;
	s28 =	sand.u32 $0xFF, s28  }
0x4c: {  	[sflag:s21] =	ssyncset.done $0x0;
	s28 =	sshll.u32 s28, $0xC  }
0x4d: {  	p0 =	slt.u32 s24, $0x4;
	[sflag:s21] =	ssyncadd.s32 $0xFFFFF000;
	s28 =	sadd.s32 $0xA000, s28  }
0x4e: {  	[spmem:s2] =	stream.indirect.scatter.add.f32 [tilespmem:s28], [sflag:$0x2], $0x20, s26, s19, $0xb8;
	[tilespmem:$0x17000] =	vst v63  }
0x4f: {  	s28 =	simm.s32 @!p0 $0x2  }
0x50: {  	p1 =	sgt.u32 @!p0 s24, $0x47;
	_ =	swait.ge @!p0 [sflag:s28], $0x1000  }
0x51: {  	p1 =	por p0, !p1;
	[sflag:s28] =	ssyncset.done @!p0 $0x0  }
0x52: {  	[sflag:s28] =	ssyncadd.s32 @!p0 $0xFFFFF000;
	s28 =	sadd.s32 @p1 $0x8, s24  }
0x53: {  	s29 =	smul.u32 @p1 $0xAB, s28;
	_ =	sdelay $0x1  }
0x54: {  	s29 =	sshrl.u32 @p1 s29, $0xB  }
0x55: {  	s29 =	sand.u32 @p1 $0x1F, s29  }
0x56: {  	s29 =	smul.u32 @p1 $0xC, s29  }
0x57: {  	s24 =	sadd.s32 $0x1, s24  }
0x58: {  	p0 =	sne.s32 s24, $0x50;
	s28 =	ssub.s32 @p1 s28, s29  }
.Ltmp1:
0x59: {  	s28 =	sand.u32 @p1 $0xFF, s28;
	(pc) =	sbr.rel @p0 .LBB2_4-.Ltmp1, $4  }
0x5a: {  	s28 =	sshll.u32 @p1 s28, $0xC  }
0x5b: {  	s28 =	sadd.s32 @p1 $0xA000, s28  }
0x5c: {  	[tilespmem:s28], [sflag:$0x1] =	stream.indirect.gather @p1 [hbm4b:s4+s19], $0x20, s25, s19, $0xb8;
	[tilespmem:$0x17000] =	vst v63  }
0x5d: {  	s26 =	sadd.s32 $0x80, s26;
	s25 =	sadd.s32 $0x80, s25  }
0x5e: {  	_ =	swait.ge [sflag:s22], $0x1000  }
0x5f: {  	[sflag:s22] =	ssyncset.done $0x0  }
0x60: {  	[sflag:s22] =	ssyncadd.s32 $0xFFFFF000  }
0x61: {  	_ =	swait.ge [sflag:s22], $0x1000  }
0x62: {  	[sflag:s22] =	ssyncset.done $0x0  }
0x63: {  	[sflag:s22] =	ssyncadd.s32 $0xFFFFF000  }
0x64: {  	_ =	swait.ge [sflag:s22], $0x1000  }
0x65: {  	[sflag:s22] =	ssyncset.done $0x0  }
0x66: {  	[sflag:s22] =	ssyncadd.s32 $0xFFFFF000  }
0x67: {  	s24 =	stileid.u32;
	_ =	swait.ge [sflag:s22], $0x1000  }
0x68: {  	s25 =	sshrl.u32 s7, $0x3;
	s23 =	sadd.s32 $0x1, s23;
	[sflag:s22] =	ssyncset.done $0x0  }
0x69: {  	s24 =	sshll.u32 s24, $0x6;
	p0 =	sne.s32 s23, s13;
	[sflag:s22] =	ssyncadd.s32 $0xFFFFF000  }
.Ltmp2:
0x6a: {  	s24 =	sor.u32 $0x1C04, s24;
	[bflag:$0x0] =	sbarrier.arrive $0xFFFF;
	(pc) =	sbr.rel @p0 .LBB2_1-.Ltmp2, $4  }
0x6b: {  	[hbm:s12], [sflag:s24] =	dma.local [spmem:s25], $0xA00  }
0x6c: {  	_ =	swait.ge [sflag:s17], $0xA00  }
0x6d: {  	[sflag:s17] =	ssyncset.done $0x0  }
0x6e: {  	[sflag:s17] =	ssyncadd.s32 $0xFFFFF600  }
0x6f: {  	_ =	sfence.sel $0x180000  }
0x70: {  	[bflag:$0x0] =	sbarrier.arrive $0xFFFF  }
0x71: {  	_ =	strace $0x9000004D  }
0x72: {  	s0 =	stileid.u32;
	[bflag:$0x2] =	sbarrier.arrive $0xFFFF  }
0x73: {  	p0 =	sne.s32 s0, $0x0;
	s0 =	rddreg [dreg:$0x2]  }
0x74: {  	s0 =	sadd.s32 @!p0 $0x100000, s0  }
0x75: {  	[sflag:s0] =	ssyncadd.tile.s32 @!p0 $0x1;
	_ =	shalt  }
.Lfunc_end2:
_tile_overlayer_lowered:
.L_overlay_start_2:
0x76: {  	(tag) =	ssettag $0x2  }
0x77: {  	s0 =	rddreg [dreg:$0x0];
	s2 =	stileid.u32  }
0x78: {  	s1 =	rddreg [dreg:$0x1];
	p0 =	sne.s32 s2, $0x0  }
0x79: {  	s3 =	rddreg [dreg:$0x2];
	[bflag:$0x3] =	sbarrier.arrive $0xFFFF;
	s2 =	simm.s32 @!p0 $0x1C04  }
0x7a: {  	[timem:s3], [sflag:s2] =	dma.local @!p0 [hbm:s0], s1  }
0x7b: {  	s0 =	simm.s32 @!p0 $0x4  }
0x7c: {  	_ =	swait.ge @!p0 [sflag:s0], s1  }
0x7d: {  	s1 =	ssub.s32 @!p0 $0x0, s1;
	[sflag:s0] =	ssyncset.done @!p0 $0x0  }
0x7e: {  	[sflag:s0] =	ssyncadd.s32 @!p0 s1  }
0x7f: {  	[bflag:$0x3] =	sbarrier.arrive $0xFFFF  }
0x80: {  	_ =	shalt  }

// kernel: kernel.8.cloned.1.call-start
scs
__scs_entry_jumppad:
0x0: {  	(pc) =	sbr.rel $0x88, $3  }
0x1: {  	(tag) =	ssettag $0x0;
	lr =	simm.s32 $0x1  }
0x2: {  	[smem:$0x3F99] =	sst lr;
	_ =	strace $0xD0000000  }
0x3: {  	_ = 	snop  }
0x4: {  	_ = 	snop  }
0x5: {  	_ = 	snop  }
0x6: {  	_ = 	snop  }
0x7: {  	_ = 	snop  }
__scs_overlays_trampoline_lowered:
0x8: {  	[smem:$0x3FA8] =	sst s0  }
0x9: {  	[smem:$0x3FA9] =	sst s1  }
0xa: {  	[smem:$0x3FAA] =	sst s2  }
0xb: {  	[smem:$0x3FAB] =	sst s3  }
0xc: {  	[smem:$0x3FAC] =	sst s4  }
0xd: {  	[smem:$0x3FAD] =	sst s5  }
0xe: {  	[smem:$0x3FAE] =	sst s6  }
0xf: {  	[smem:$0x3FAF] =	sst s7  }
0x10: {  	[smem:$0x3FB0] =	sst s8  }
0x11: {  	[smem:$0x3FB1] =	sst s9;
	s0 =	simm.s32 @!p0 $0x0  }
0x12: {  	s1 =	sld [smem:$0x3F97];
	s0 =	simm.s32 @p0 $0x1  }
0x13: {  	[smem:$0x3FB2] =	sst s0;
	s0 =	simm.s32 @!p1 $0x0  }
0x14: {  	s2 =	sld [smem:$0x3F96];
	s0 =	simm.s32 @p1 $0x1  }
0x15: {  	[smem:$0x3FB3] =	sst s0;
	s0 =	simm.s32 @!p2 $0x0  }
0x16: {  	s3 =	sld [smem:$0x3FDB];
	s0 =	simm.s32 @p2 $0x1  }
0x17: {  	s4 =	simm.s32 $0x1BF5;
	[smem:$0x3FB5] =	sst s0  }
0x18: {  	s0 =	sld [smem:$0x3F98];
	_ =	swait.ge [sflag:s4], $0x0  }
0x19: {  	s7 =	sld [smem:$0x3F99]  }
0x1a: {  	s8 =	sadd.s32 $0xFFFFE003, lr  }
0x1b: {  	s9 =	sadd.s32 $0xFFFFFEF7, lr;
	s5 =	simm.s32 $0xFFFFFFFF;
	p2 =	slt.u32 s8, $0xFFFFF086  }
0x1c: {  	p1 =	slt.u32 s9, $0xF7A;
	s5 =	simm.s32 @!p2 $0x0  }
0x1d: {  	s5 =	simm.s32 @p1 $0x1;
	p0 =	seq.s32 s7, s2  }
0x1e: {  	s7 =	smul.u32 @!p0 $0xF7A, s2;
	p2 =	seq.s32 @!p0 s5, $0x0  }
0x1f: {  	s9 =	smul.u32 $0xF7A, s1;
	s8 =	simm.s32 @!p0 $0x1BF5;
	p2 =	por !p2, p0  }
0x20: {  	[sflag:s8] =	ssyncset.s32 @!p0 $0xFFFFF086;
	s6 =	sadd.s32 @!p0 s3, s7;
	s7 =	simm.s32 @!p0 $0x108  }
0x21: {  	s3 =	sadd.s32 s3, s9;
	s6 =	sadd.s32 @!p0 $0x88, s6;
	s7 =	simm.s32 @p2 $0x1082  }
0x22: {  	[simem:s7], [sflag:s8] =	dma.local @!p0 [hbm:s6], $0xF7A  }
0x23: {  	s9 =	sor.u32 $0xD0000000, s2;
	s6 =	simm.s32 $0x108;
	_ =	swait.ge @!p0 [sflag:s8], $0x0  }
0x24: {  	s3 =	sadd.s32 $0x88, s3;
	s6 =	simm.s32 @!p1 $0x1082;
	[sflag:s4] =	ssyncset.s32 $0xFFFFF086  }
0x25: {  	[simem:s6], [sflag:s4] =	dma.local [hbm:s3], $0xF7A  }
0x26: {  	[smem:$0x3F99] =	sst s1;
	(tag) =	ssettag s2;
	_ =	strace s9  }
0x27: {  	s1 =	sld [smem:$0x3FA9]  }
0x28: {  	s2 =	sld [smem:$0x3FAA]  }
0x29: {  	s4 =	sld [smem:$0x3FAC]  }
0x2a: {  	p0 =	seq.s32 s5, $0x0;
	s5 =	sld [smem:$0x3FAD]  }
0x2b: {  	s6 =	sld [smem:$0x3FAE]  }
0x2c: {  	s7 =	sld [smem:$0x3FAF]  }
0x2d: {  	s3 =	simm.s32 $0x108;
	s8 =	sld [smem:$0x3FB0]  }
0x2e: {  	s3 =	simm.s32 @!p0 $0x1082;
	s9 =	sld [smem:$0x3FB1]  }
0x2f: {  	lr =	sadd.s32 s0, s3;
	s0 =	sld [smem:$0x3FA8]  }
0x30: {  	s3 =	sld [smem:$0x3FAB]  }
0x31: {  	[smem:$0x3FB4] =	sst s10  }
0x32: {  	s10 =	sld [smem:$0x3FB2];
	_ =	sdelay $0x3  }
0x33: {  	p0 =	seq.s32 s10, $0x1;
	s10 =	sld [smem:$0x3FB4];
	_ =	sdelay $0x3  }
0x34: {  	[smem:$0x3FB4] =	sst s10  }
0x35: {  	s10 =	sld [smem:$0x3FB3];
	_ =	sdelay $0x3  }
0x36: {  	p1 =	seq.s32 s10, $0x1;
	s10 =	sld [smem:$0x3FB4];
	_ =	sdelay $0x3  }
0x37: {  	[smem:$0x3FB4] =	sst s10  }
0x38: {  	s10 =	sld [smem:$0x3FB5]  }
0x39: {  	_ = 	snop;
	(pc) =	sbr.ind lr, $3  }
0x3a: {  	_ = 	snop  }
0x3b: {  	_ = 	snop  }
0x3c: {  	p2 =	seq.s32 s10, $0x1;
	s10 =	sld [smem:$0x3FB4]  }
0x3d: {  	_ =	shalt  }
0x3e: {  	_ =	shalt  }
0x3f: {  	_ =	shalt  }
0x40: {  	_ =	shalt  }
0x41: {  	_ =	shalt  }
0x42: {  	_ =	shalt  }
0x43: {  	_ =	shalt  }
0x44: {  	_ =	shalt  }
0x45: {  	_ =	shalt  }
0x46: {  	_ =	shalt  }
0x47: {  	_ =	shalt  }
0x48: {  	_ =	shalt  }
0x49: {  	_ =	shalt  }
0x4a: {  	_ =	shalt  }
0x4b: {  	_ =	shalt  }
0x4c: {  	_ =	shalt  }
0x4d: {  	_ =	shalt  }
0x4e: {  	_ =	shalt  }
0x4f: {  	_ =	shalt  }
0x50: {  	_ =	shalt  }
0x51: {  	_ =	shalt  }
0x52: {  	_ =	shalt  }
0x53: {  	_ =	shalt  }
0x54: {  	_ =	shalt  }
0x55: {  	_ =	shalt  }
0x56: {  	_ =	shalt  }
0x57: {  	_ =	shalt  }
0x58: {  	_ =	shalt  }
0x59: {  	_ =	shalt  }
0x5a: {  	_ =	shalt  }
0x5b: {  	_ =	shalt  }
0x5c: {  	_ =	shalt  }
0x5d: {  	_ =	shalt  }
0x5e: {  	_ =	shalt  }
0x5f: {  	_ =	shalt  }
0x60: {  	_ =	shalt  }
0x61: {  	_ =	shalt  }
0x62: {  	_ =	shalt  }
0x63: {  	_ =	shalt  }
0x64: {  	_ =	shalt  }
0x65: {  	_ =	shalt  }
0x66: {  	_ =	shalt  }
0x67: {  	_ =	shalt  }
0x68: {  	_ =	shalt  }
0x69: {  	_ =	shalt  }
0x6a: {  	_ =	shalt  }
0x6b: {  	_ =	shalt  }
0x6c: {  	_ =	shalt  }
0x6d: {  	_ =	shalt  }
0x6e: {  	_ =	shalt  }
0x6f: {  	_ =	shalt  }
0x70: {  	_ =	shalt  }
0x71: {  	_ =	shalt  }
0x72: {  	_ =	shalt  }
0x73: {  	_ =	shalt  }
0x74: {  	_ =	shalt  }
0x75: {  	_ =	shalt  }
0x76: {  	_ =	shalt  }
0x77: {  	_ =	shalt  }
0x78: {  	_ =	shalt  }
0x79: {  	_ =	shalt  }
0x7a: {  	_ =	shalt  }
0x7b: {  	_ =	shalt  }
0x7c: {  	_ =	shalt  }
0x7d: {  	_ =	shalt  }
0x7e: {  	_ =	shalt  }
0x7f: {  	_ =	shalt  }
0x80: {  	_ =	shalt  }
0x81: {  	_ =	shalt  }
0x82: {  	_ =	shalt  }
0x83: {  	_ =	shalt  }
0x84: {  	_ =	shalt  }
0x85: {  	_ =	shalt  }
0x86: {  	_ =	shalt  }
0x87: {  	_ =	shalt  }
.Lfunc_end0:
.L_simem_size_0:
called_computation_lowered:
.L_overlay_start_0:
0x88: {  	s2 =	sld [smem:$0x3FD9]  }
0x89: {  	s3 =	sld [smem:$0x3FFE];
	_ =	sdelay $0x1  }
0x8a: {  	s1 =	srdreg.scid  }
0x8b: {  	s0 =	sand.u32 $0x1, s1  }
0x8c: {  	s16 =	sshll.u32 s0, $0xA;
	s2 =	sadd.s32 s3, s2  }
0x8d: {  	s2 =	sadd.s32 s2, s16  }
0x8e: {  	[smem:$0x3FC0] =	sst s2  }
0x8f: {  	_ = 	snop  }
0x90: {  	(tm) =	ssettm $0x1  }
0x91: {  	s17 =	sld [smem:$0x3FFB];
	_ =	sdelay $0x3  }
0x92: {  	_ =	strace s17  }
0x93: {  	s2 =	sld [smem:$0x3FFC];
	_ =	sdelay $0x3  }
0x94: {  	_ =	strace s2  }
0x95: {  	s2 =	sld [smem:$0x3FFD];
	_ =	sdelay $0x3  }
0x96: {  	_ =	strace s2  }
0x97: {  	_ =	strace $0x8FFFFFFF  }
0x98: {  	s18 =	sld [smem:$0x3FDB];
	_ =	sdelay $0x1  }
0x99: {  	s19 =	simm.s32 $_scs_section_size  }
0x9a: {  	s4 =	simm.s32 $_size__tile_overlayer_lowered;
	s5 =	simm.s32 $_tile_overlayer_lowered  }
0x9b: {  	s22 =	simm.s32 $0x1BFF;
	s21 =	sshll.u32 s5, $0x1;
	s2 =	sadd.s32 s19, s18  }
0x9c: {  	s6 =	simm.s32 $0x0;
	s20 =	sshll.u32 s4, $0x1;
	s4 =	sadd.s32 s21, s2  }
0x9d: {  	[timem:s6], [sflag:s22] =	dma.local [hbm:s4], s20  }
0x9e: {  	_ =	swait.ge [sflag:s22], s20  }
0x9f: {  	s3 =	ssub.s32 $0x0, s20;
	[sflag:s22] =	ssyncset.done $0x0  }
0xa0: {  	[sflag:s22] =	ssyncadd.s32 s3;
	_ =	sdelay $0x1  }
0xa1: {  	s23 =	simm.s32 $0x1B8B  }
0xa2: {  	_ =	swait.ge [sflag:s23], $0x1  }
0xa3: {  	[sflag:s23] =	ssyncset.done $0x0  }
0xa4: {  	s25 =	simm.s32 $0x1B8E;
	s24 =	sld [smem:$0x3FFE];
	[sflag:s23] =	ssyncadd.s32 $0xFFFFFFFF  }
0xa5: {  	s26 =	simm.s32 $execute0_lowered;
	[smem:$0x3FD2] =	sst s25  }
0xa6: {  	s4 =	sshll.u32 s26, $0x1;
	_ =	strace $0x80000046;
	[dreg:$0x1] =	wrdreg $0xFFFFFFFF  }
0xa7: {  	s28 =	simm.s32 $_size_execute0_lowered;
	s2 =	sadd.s32 s2, s4;
	[dreg:$0x0] =	wrdreg $0x0  }
0xa8: {  	s4 =	sshll.u32 s28, $0x1;
	[dreg:$0x2] =	wrdreg s2  }
0xa9: {  	[dreg:$0x3] =	wrdreg s4  }
0xaa: {  	[dreg:$0x4] =	wrdreg $0xC0  }
0xab: {  	_ =	task [dreg:s6], $0x5FFFF  }
0xac: {  	[dreg:$0x1] =	wrdreg $0xFFFFFFFF  }
0xad: {  	[dreg:$0x0] =	wrdreg $0x60  }
0xae: {  	[dreg:$0x2] =	wrdreg s24  }
0xaf: {  	[dreg:$0x3] =	wrdreg $0x9  }
0xb0: {  	_ =	task.clear_ibuf [dreg:s6], $0x4FFFF;
	_ =	strace $0x90000046  }
0xb1: {  	s29 =	simm.s32 $0x9;
	_ =	strace $0x80000048  }
0xb2: {  	_ =	swait.ge [sflag:s29], $0x1  }
0xb3: {  	[sflag:s29] =	ssyncadd.s32 $0xFFFFFFFF  }
0xb4: {  	_ =	strace $0x90000048  }
0xb5: {  	_ =	sfence  }
0xb6: {  	s30 =	sld [smem:$0x0];
	_ =	sdelay $0x2  }
0xb7: {  	s31 =	sshll.u32 s1, $0xD;
	s1 =	sshrl.u32 s1, $0x2  }
0xb8: {  	s3 =	sand.u32 $0x4000, s31;
	s1 =	sadd.s32 s1, s30  }
0xb9: {  	s0 =	sor.u32 s3, s0;
	s1 =	sshll.u32 s1, $0x11  }
0xba: {  	s0 =	sor.u32 s1, s0  }
0xbb: {  	s0 =	sadd.s32 $0x8F2B, s0  }
0xbc: {  	[sflag:s0] =	ssyncadd.remote.s32 $0x1  }
0xbd: {  	_ =	sfence.sel $0xFFFF  }
0xbe: {  	[dreg:$0x0] =	wrdreg $0xFFFFFFFF;
	(pc) =	sbr.abs _section_cstart, $3  }
0xbf: {  	[dreg:$0x1] =	wrdreg $0xFFFFFFFF  }
0xc0: {  	_ =	task.clear_ibuf [dreg:s6], $0x2FFFF;
	_ =	strace $0x9FFFFFFF  }
0xc1: {  	(tm) =	ssettm $0x7FFFFFFF  }
tec
execute0_lowered:
.L_overlay_start_1:
0x0: {  	(tag) =	ssettag $0x1  }
0x1: {  	s1 =	srdreg.scid  }
0x2: {  	s0 =	stileid.u32;
	s3 =	rddreg [dreg:$0x0];
	s8 =	simm.s32 $0x80  }
0x3: {  	s9 =	simm.s32 $0x400;
	s10 =	simm.s32 $0x2;
	s11 =	simm.s32 $0x0  }
0x4: {  	s4 =	sand.u32 $0x1, s1;
	s2 =	sshll.u32 s0, $0x1;
	s1 =	rddreg [dreg:$0x1]  }
0x5: {  	s6 =	sshrl.u32 s0, $0x2;
	s5 =	sor.u32 s4, s2;
	s2 =	simm.s32 $0x0  }
0x6: {  	s6 =	smul.u32 $0x14000, s6;
	s4 =	ssub.s32 $0x2, s4;
	s7 =	sshll.u32 s5, $0x7  }
0x7: {  	[smem:$0x7FF] =	sst s2;
	s5 =	smul.u32 $0x500, s5;
	s7 =	sand.u32 $0x380, s7  }
0x8: {  	s31 =	sshrl.u32 s4, $0x1;
	_ =	strace $0x80000047;
	s6 =	sor.u32 s6, s7  }
0x9: {  	s5 =	sadd.s32 s5, s3;
	s7 =	ssub.s32 s4, s31;
	s6 =	sshrl.u32 s6, $0x3  }
0xa: {  	s6 =	sadd.s32 s6, s3;
	s3 =	sadd.s32 $0x2800, s5;
	s5 =	smax.u32 s7, $0x1  }
0xb: {  	v0 =	vimm.f32 $0.0e+00;
	v1 =	vimm.f32 $1.000000000e+00;
	s7 =	simm.s32 $0x2800;
	s4 =	sadd.s32 $0x16800, s6;
	s6 =	simm.s32 $0x1  }
.LBB2_1:
0xc: {  	[tilespmem:s2], [sflag:$0x1] =	stream.linear.gather [hbm4b:s3+s2], $0x2800, $0x38;
	[tilespmem:$0x5000] =	vst v63  }
0xd: {  	s12 =	simm.s32 $0x40;
	s13 =	simm.s32 $0x0  }
.LBB2_2:
0xe: {  	p0 =	sne.s32 s12, $0x9FC0;
	[tilespmem:s13+$0x2800] =	vst v0;
	s13 =	smov.u32 s12;
	s12 =	sadd.s32 $0x40, s12  }
.Ltmp0:
0xf: {  	(pc) =	sbr.rel @p0 .LBB2_2-.Ltmp0, $2  }
0x10: {  	_ =	sdelay $0x2  }
0x11: {  	s13 =	sshra.s32 s13, $0x2  }
0x12: {  	[tilespmem:s13+$0x2800] =	vst v0  }
0x13: {  	_ =	swait.ge [sflag:s6], $0x2800  }
0x14: {  	[sflag:s6] =	ssyncset.done $0x0  }
0x15: {  	s12 =	simm.s32 $0x0;
	[sflag:s6] =	ssyncadd.s32 $0xFFFFD800  }
.LBB2_4:
0x16: {  	s13 =	sshra.s32 s12, $0x2  }
0x17: {  	v2 =	vld [tilespmem:s13+$0x0];
	_ =	sdelay $0x7  }
0x18: {  	[tilespmem:v2+s7+$0x0] =	vst.idx.add.f32.msk $0xffff, v1  }
0x19: {  	v2 =	vld [tilespmem:s13+$0x10];
	_ =	sdelay $0x7  }
0x1a: {  	[tilespmem:v2+s7+$0x0] =	vst.idx.add.f32.msk $0xffff, v1  }
0x1b: {  	v2 =	vld [tilespmem:s13+$0x20];
	_ =	sdelay $0x7  }
0x1c: {  	[tilespmem:v2+s7+$0x0] =	vst.idx.add.f32.msk $0xffff, v1  }
0x1d: {  	v2 =	vld [tilespmem:s13+$0x30];
	_ =	sdelay $0x7  }
0x1e: {  	[tilespmem:v2+s7+$0x0] =	vst.idx.add.f32.msk $0xffff, v1  }
0x1f: {  	v2 =	vld [tilespmem:s13+$0x40];
	_ =	sdelay $0x7  }
0x20: {  	[tilespmem:v2+s7+$0x0] =	vst.idx.add.f32.msk $0xffff, v1  }
0x21: {  	v2 =	vld [tilespmem:s13+$0x50];
	_ =	sdelay $0x7  }
0x22: {  	[tilespmem:v2+s7+$0x0] =	vst.idx.add.f32.msk $0xffff, v1  }
0x23: {  	v2 =	vld [tilespmem:s13+$0x60];
	_ =	sdelay $0x7  }
0x24: {  	[tilespmem:v2+s7+$0x0] =	vst.idx.add.f32.msk $0xffff, v1  }
0x25: {  	v2 =	vld [tilespmem:s13+$0x70];
	_ =	sdelay $0x2  }
0x26: {  	p0 =	sne.s32 s12, $0x9E00  }
.Ltmp1:
0x27: {  	_ = 	snop;
	(pc) =	sbr.rel @p0 .LBB2_4-.Ltmp1, $2  }
0x28: {  	_ =	sdelay $0x2  }
0x29: {  	s12 =	sadd.s32 $0x200, s12;
	[tilespmem:v2+s7+$0x0] =	vst.idx.add.f32.msk $0xffff, v1  }
0x2a: {  	s11 =	sadd.s32 $0x1, s11  }
0x2b: {  	p0 =	sne.s32 s11, s5  }
.Ltmp2:
0x2c: {  	_ = 	snop;
	(pc) =	sbr.rel @p0 .LBB2_1-.Ltmp2, $4  }
0x2d: {  	[hbm4b:s4+s8] =	stream.strided.scatter [tilespmem:s7], [sflag:$0x2], $0x2800, s9, s8, $0x38;
	[tilespmem:$0x5000] =	vst v63  }
0x2e: {  	_ =	swait.ge [sflag:s10], $0x2800  }
0x2f: {  	[sflag:s10] =	ssyncset.done $0x0  }
0x30: {  	[sflag:s10] =	ssyncadd.s32 $0xFFFFD800  }
0x31: {  	_ =	sfence.sel $0x180000  }
0x32: {  	[bflag:$0x0] =	sbarrier.arrive $0xFFFF  }
0x33: {  	p0 =	sne.s32 s0, $0x0;
	_ =	strace $0x90000047  }
0x34: {  	s0 =	sadd.s32 @!p0 $0x100000, s1;
	[bflag:$0x2] =	sbarrier.arrive $0xFFFF  }
0x35: {  	[sflag:s0] =	ssyncadd.tile.s32 @!p0 $0x1;
	_ =	shalt  }
.Lfunc_end2:
_tile_overlayer_lowered:
.L_overlay_start_2:
0x36: {  	(tag) =	ssettag $0x2  }
0x37: {  	s0 =	rddreg [dreg:$0x0];
	s2 =	stileid.u32  }
0x38: {  	s1 =	rddreg [dreg:$0x1];
	p0 =	sne.s32 s2, $0x0  }
0x39: {  	s3 =	rddreg [dreg:$0x2];
	[bflag:$0x3] =	sbarrier.arrive $0xFFFF;
	s2 =	simm.s32 @!p0 $0x1C02  }
0x3a: {  	[timem:s3], [sflag:s2] =	dma.local @!p0 [hbm:s0], s1  }
0x3b: {  	s0 =	simm.s32 @!p0 $0x2  }
0x3c: {  	_ =	swait.ge @!p0 [sflag:s0], s1  }
0x3d: {  	s1 =	ssub.s32 @!p0 $0x0, s1;
	[sflag:s0] =	ssyncset.done @!p0 $0x0  }
0x3e: {  	[sflag:s0] =	ssyncadd.s32 @!p0 s1  }
0x3f: {  	[bflag:$0x3] =	sbarrier.arrive $0xFFFF  }
0x40: {  	_ =	shalt  }

</sc_bundles>
